<compile_context>
chip_gen: v7x
topology: tpu7x:2x2x1
jax: 0.10.2.dev20260603
libtpu: 0.0.44.dev20260713+nightly
codegen_flags: <defaults>
</compile_context>

<pallas_src>
import functools

import jax
import jax.numpy as jnp
from jax import lax
from jax.experimental import pallas as pl
from jax.experimental.pallas import tpu as pltpu
from jax.experimental.pallas import tpu_sc as plsc

B = 16384
D = 16
NC = 2
NS = 16
NW = NC * NS
BPW = B // NW
CW = 128
CH = BPW // CW

_mesh = plsc.VectorSubcoreMesh(core_axis_name="c", subcore_axis_name="s")


@functools.partial(
    pl.kernel,
    out_type=(
        jax.ShapeDtypeStruct((NW * D,), jnp.float32),
        jax.ShapeDtypeStruct((B // CW, CW), jnp.float32),
    ),
    mesh=_mesh,
    compiler_params=pltpu.CompilerParams(use_tc_tiling_on_sc=False),
    scratch_types=[
        pltpu.VMEM((CH, CW), jnp.int32),
        pltpu.VMEM((CH, CW), jnp.int32),
        pltpu.VMEM((BPW, D), jnp.float32),
        pltpu.VMEM((BPW, D), jnp.float32),
        pltpu.VMEM((CH, CW), jnp.float32),
        pltpu.VMEM((CH, CW), jnp.float32),
        pltpu.VMEM((CH, CW), jnp.float32),
        pltpu.VMEM((D,), jnp.float32),
        pltpu.SemaphoreType.DMA,
    ],
)
def _sc_gather_dot(uidx_hbm, bidx_hbm, uemb_hbm, bemb_hbm, ubias_hbm,
                   bbias_hbm, partials_hbm, bsum_hbm, uidx_v, bidx_v,
                   urows_v, brows_v, ubias_v, bbias_v, bsum_v, acc_v, sem):
    c = lax.axis_index("c")
    s = lax.axis_index("s")
    wid = s * NC + c
    rowbase = wid * CH

    pltpu.sync_copy(uidx_hbm.at[pl.ds(rowbase, CH)], uidx_v)
    pltpu.sync_copy(bidx_hbm.at[pl.ds(rowbase, CH)], bidx_v)

    descs = []
    for j in range(CH):
        descs.append(pltpu.async_copy(
            uemb_hbm.at[uidx_v.at[j]], urows_v.at[pl.ds(j * CW, CW)], sem))
        descs.append(pltpu.async_copy(
            bemb_hbm.at[bidx_v.at[j]], brows_v.at[pl.ds(j * CW, CW)], sem))
        descs.append(pltpu.async_copy(
            ubias_hbm.at[uidx_v.at[j]], ubias_v.at[j], sem))
        descs.append(pltpu.async_copy(
            bbias_hbm.at[bidx_v.at[j]], bbias_v.at[j], sem))
    for d in descs:
        d.wait()

    def body(i, acc):
        return acc + urows_v[i] * brows_v[i]

    acc = lax.fori_loop(0, BPW, body, jnp.zeros((D,), jnp.float32))
    acc_v[...] = acc
    pltpu.sync_copy(acc_v, partials_hbm.at[pl.ds(wid * D, D)])

    for j in range(CH):
        for k in range(CW // 16):
            sl = pl.ds(k * 16, 16)
            bsum_v[j, sl] = ubias_v[j, sl] + bbias_v[j, sl]
    pltpu.sync_copy(bsum_v, bsum_hbm.at[pl.ds(rowbase, CH)])


def _combine_body(p_ref, b_ref, o_ref):
    total = jnp.sum(p_ref[...])
    o_ref[...] = jax.nn.sigmoid(b_ref[...] + total)


_combine = pl.pallas_call(
    _combine_body,
    out_shape=jax.ShapeDtypeStruct((B // CW, CW), jnp.float32),
)

V = 1_000_000
TCB = 8192
TGRID = -(-V // TCB)


def _tr_body(u_ref, b_ref, ou_ref, ob_ref):
    ou_ref[...] = u_ref[...].T
    ob_ref[...] = b_ref[...].T


_transpose_tc = pl.pallas_call(
    _tr_body,
    grid=(TGRID,),
    in_specs=[
        pl.BlockSpec((D, TCB), lambda i: (0, i)),
        pl.BlockSpec((D, TCB), lambda i: (0, i)),
    ],
    out_specs=[
        pl.BlockSpec((TCB, D), lambda i: (i, 0)),
        pl.BlockSpec((TCB, D), lambda i: (i, 0)),
    ],
    out_shape=[
        jax.ShapeDtypeStruct((V, D), jnp.float32),
        jax.ShapeDtypeStruct((V, D), jnp.float32),
    ],
)


def kernel(inputs, user_embedding, user_bias, book_embedding, book_bias):
    uidx = inputs[:, 0].astype(jnp.int32).reshape(B // CW, CW)
    bidx = inputs[:, 1].astype(jnp.int32).reshape(B // CW, CW)
    ub = user_bias.reshape(-1)
    bb = book_bias.reshape(-1)
    u_lin, b_lin = _transpose_tc(user_embedding.T, book_embedding.T)
    partials, bsums = _sc_gather_dot(
        uidx, bidx, u_lin, b_lin, ub, bb)
    out = _combine(partials.reshape(NW * D // CW, CW), bsums)
    return out.reshape(B, 1)

# --- scband reference (transcript-rebuilt; emitter-appended) ---
"""Pipeline reference for scband-recommender-net-63565515981352 (READ-ONLY COPY).

The authoritative reference and input builder live on the scoring server;
editing this copy changes nothing except your own understanding.
"""

import jax, jax.numpy as jnp
import numpy as np

NUM_USERS = 1000000
NUM_BOOKS = 1000000
EMBED_DIM = 16
BATCH = 16384

def setup_inputs(seed: int = 0) -> dict:
    key = jax.random.key(seed)
    k1, k2, k3, k4, k5 = jax.random.split(key, 5)
    inputs = jax.random.randint(k1, (BATCH, 2), 0, NUM_USERS, dtype=jnp.int64 if jax.config.jax_enable_x64 else jnp.int32)
    # he_normal: stddev = sqrt(2 / fan_in), fan_in = num_embeddings for Embedding he_normal approx;
    # keras uses fan_in = embedding input dim; use sqrt(2/EMBED_DIM) scale for realism
    he = float(np.sqrt(2.0 / EMBED_DIM))
    user_embedding = jax.random.normal(k2, (NUM_USERS, EMBED_DIM), dtype=jnp.float32) * he
    book_embedding = jax.random.normal(k3, (NUM_BOOKS, EMBED_DIM), dtype=jnp.float32) * he
    user_bias = jax.random.normal(k4, (NUM_USERS, 1), dtype=jnp.float32) * 0.01
    book_bias = jax.random.normal(k5, (NUM_BOOKS, 1), dtype=jnp.float32) * 0.01
    return {
        "inputs": inputs,
        "user_embedding": user_embedding,
        "user_bias": user_bias,
        "book_embedding": book_embedding,
        "book_bias": book_bias,
    }

def reference(inputs, user_embedding, user_bias, book_embedding, book_bias):
    user_idx = inputs[:, 0]
    book_idx = inputs[:, 1]
    user_vector = jnp.take(user_embedding, user_idx, axis=0)   # [B, D]
    ub = jnp.take(user_bias, user_idx, axis=0)                 # [B, 1]
    book_vector = jnp.take(book_embedding, book_idx, axis=0)   # [B, D]
    bb = jnp.take(book_bias, book_idx, axis=0)                 # [B, 1]
    # Faithful to tf.tensordot(user_vector, book_vector, 2): full contraction -> scalar
    dot_user_book = jnp.tensordot(user_vector, book_vector, 2)
    x = dot_user_book + ub + bb                                # broadcast scalar -> [B, 1]
    return jax.nn.sigmoid(x)

if __name__ == "__main__":
    import jax
    _d = setup_inputs()
    print(jax.jit(kernel)(*tuple(_d.values())))

</pallas_src>

<mosaic_0001>
#map = affine_map<(d0, d1) -> (0, 0)>
#map1 = affine_map<(d0, d1) -> (0)>
module attributes {stable_mosaic.version = 14 : i64} {
  func.func @_sc_gather_dot(%arg0: i32, %arg1: i32, %arg2: memref<128x128xi32, #tpu.memory_space<hbm>>, %arg3: memref<128x128xi32, #tpu.memory_space<hbm>>, %arg4: memref<1000000x16xf32, #tpu.memory_space<hbm>>, %arg5: memref<1000000x16xf32, #tpu.memory_space<hbm>>, %arg6: memref<1000000xf32, #tpu.memory_space<hbm>>, %arg7: memref<1000000xf32, #tpu.memory_space<hbm>>, %arg8: memref<512xf32, #tpu.memory_space<hbm>>, %arg9: memref<128x128xf32, #tpu.memory_space<hbm>>, %arg10: memref<4x128xi32, #tpu.memory_space<vmem>>, %arg11: memref<4x128xi32, #tpu.memory_space<vmem>>, %arg12: memref<512x16xf32, #tpu.memory_space<vmem>>, %arg13: memref<512x16xf32, #tpu.memory_space<vmem>>, %arg14: memref<4x128xf32, #tpu.memory_space<vmem>>, %arg15: memref<4x128xf32, #tpu.memory_space<vmem>>, %arg16: memref<4x128xf32, #tpu.memory_space<vmem>>, %arg17: memref<16xf32, #tpu.memory_space<vmem>>, %arg18: memref<!tpu.dma_semaphore, #tpu.memory_space<semaphore_mem>>) attributes {dimension_semantics = [#tpu.dimension_semantics<core_parallel>, #tpu.dimension_semantics<subcore_parallel>], iteration_bounds = array<i64: 2, 16>, scalar_prefetch = 0 : i64, scratch_operands = 9 : i64, tpu.core_type = #tpu.core_type<sc_vector_subcore>, window_params = [{transform_indices = #map}, {transform_indices = #map}, {transform_indices = #map}, {transform_indices = #map}, {transform_indices = #map1}, {transform_indices = #map1}, {transform_indices = #map1}, {transform_indices = #map}]} {
    %mul3A = arith.constant 2 : i32
    %mul3A_0 = arith.muli %arg1, %mul3A : i32
    %add3A = arith.addi %mul3A_0, %arg0 : i32
    %mul3A_1 = arith.constant 4 : i32
    %mul3A_2 = arith.muli %add3A, %mul3A_1 : i32
    "tpu.region"() ({
      %run_scoped3A = tpu.sem_alloc : memref<!tpu.dma_semaphore, #tpu.memory_space<semaphore_mem>>
      %dma_start3A_875 = arith.constant 0 : i32
      %dma_start3A_876 = tpu.memref_slice %arg2[%mul3A_2, %dma_start3A_875] : memref<128x128xi32, #tpu.memory_space<hbm>> -> memref<4x128xi32, #tpu.memory_space<hbm>>
      %dma_start3A_877 = arith.constant 0 : i32
      %dma_start3A_878 = tpu.memref_slice %arg2[%mul3A_2, %dma_start3A_877] : memref<128x128xi32, #tpu.memory_space<hbm>> -> memref<4x128xi32, #tpu.memory_space<hbm>>
      tpu.enqueue_dma source(%dma_start3A_878 : memref<4x128xi32, #tpu.memory_space<hbm>>) target(%arg10 : memref<4x128xi32, #tpu.memory_space<vmem>>) target_semaphore(%run_scoped3A : memref<!tpu.dma_semaphore, #tpu.memory_space<semaphore_mem>>)
      %dma_wait3A_879 = arith.constant 0 : i32
      %dma_wait3A_880 = tpu.memref_slice %arg2[%mul3A_2, %dma_wait3A_879] : memref<128x128xi32, #tpu.memory_space<hbm>> -> memref<4x128xi32, #tpu.memory_space<hbm>>
      %dma_wait3A_881 = arith.constant 0 : i32
      %dma_wait3A_882 = tpu.memref_slice %arg2[%mul3A_2, %dma_wait3A_881] : memref<128x128xi32, #tpu.memory_space<hbm>> -> memref<4x128xi32, #tpu.memory_space<hbm>>
      tpu.wait_dma2 semaphore(%run_scoped3A : memref<!tpu.dma_semaphore, #tpu.memory_space<semaphore_mem>>) src(%dma_wait3A_882 : memref<4x128xi32, #tpu.memory_space<hbm>>) dst(%arg10 : memref<4x128xi32, #tpu.memory_space<vmem>>)
      tpu.yield
    }) : () -> ()
    "tpu.region"() ({
      %run_scoped3A = tpu.sem_alloc : memref<!tpu.dma_semaphore, #tpu.memory_space<semaphore_mem>>
      %dma_start3A_875 = arith.constant 0 : i32
      %dma_start3A_876 = tpu.memref_slice %arg3[%mul3A_2, %dma_start3A_875] : memref<128x128xi32, #tpu.memory_space<hbm>> -> memref<4x128xi32, #tpu.memory_space<hbm>>
      %dma_start3A_877 = arith.constant 0 : i32
      %dma_start3A_878 = tpu.memref_slice %arg3[%mul3A_2, %dma_start3A_877] : memref<128x128xi32, #tpu.memory_space<hbm>> -> memref<4x128xi32, #tpu.memory_space<hbm>>
      tpu.enqueue_dma source(%dma_start3A_878 : memref<4x128xi32, #tpu.memory_space<hbm>>) target(%arg11 : memref<4x128xi32, #tpu.memory_space<vmem>>) target_semaphore(%run_scoped3A : memref<!tpu.dma_semaphore, #tpu.memory_space<semaphore_mem>>)
      %dma_wait3A_879 = arith.constant 0 : i32
      %dma_wait3A_880 = tpu.memref_slice %arg3[%mul3A_2, %dma_wait3A_879] : memref<128x128xi32, #tpu.memory_space<hbm>> -> memref<4x128xi32, #tpu.memory_space<hbm>>
      %dma_wait3A_881 = arith.constant 0 : i32
      %dma_wait3A_882 = tpu.memref_slice %arg3[%mul3A_2, %dma_wait3A_881] : memref<128x128xi32, #tpu.memory_space<hbm>> -> memref<4x128xi32, #tpu.memory_space<hbm>>
      tpu.wait_dma2 semaphore(%run_scoped3A : memref<!tpu.dma_semaphore, #tpu.memory_space<semaphore_mem>>) src(%dma_wait3A_882 : memref<4x128xi32, #tpu.memory_space<hbm>>) dst(%arg11 : memref<4x128xi32, #tpu.memory_space<vmem>>)
      tpu.yield
    }) : () -> ()
    %dma_start3A = arith.constant 0 : i32
    %dma_start3A_3 = arith.constant 0 : i32
    %dma_start3A_4 = arith.constant 0 : i32
    %dma_start3A_5 = tpu.memref_slice %arg12[%dma_start3A_3, %dma_start3A_4] : memref<512x16xf32, #tpu.memory_space<vmem>> -> memref<128x16xf32, #tpu.memory_space<vmem>>
    %dma_start3A_6 = arith.constant 0 : i32
    %dma_start3A_7 = tpu.memref_slice %arg10[%dma_start3A, %dma_start3A_6] : memref<4x128xi32, #tpu.memory_space<vmem>> -> memref<1x128xi32, #tpu.memory_space<vmem>>
    %dma_start3A_8 = tpu.memref_squeeze %dma_start3A_7 : memref<1x128xi32, #tpu.memory_space<vmem>> -> memref<128xi32, #tpu.memory_space<vmem>>
    %dma_start3A_9 = arith.constant 0 : i32
    %dma_start3A_10 = arith.constant 0 : i32
    %dma_start3A_11 = tpu.memref_slice %arg4[%dma_start3A_9, %dma_start3A_10] : memref<1000000x16xf32, #tpu.memory_space<hbm>> -> memref<1000000x16xf32, #tpu.memory_space<hbm>>
    tpu.enqueue_indirect_dma source(%dma_start3A_11 : memref<1000000x16xf32, #tpu.memory_space<hbm>>) target(%dma_start3A_5 : memref<128x16xf32, #tpu.memory_space<vmem>>) offsets(%dma_start3A_8 : memref<128xi32, #tpu.memory_space<vmem>>) semaphore(%arg18 : memref<!tpu.dma_semaphore, #tpu.memory_space<semaphore_mem>>)
    %dma_start3A_12 = arith.constant 0 : i32
    %dma_start3A_13 = arith.constant 0 : i32
    %dma_start3A_14 = arith.constant 0 : i32
    %dma_start3A_15 = tpu.memref_slice %arg13[%dma_start3A_13, %dma_start3A_14] : memref<512x16xf32, #tpu.memory_space<vmem>> -> memref<128x16xf32, #tpu.memory_space<vmem>>
    %dma_start3A_16 = arith.constant 0 : i32
    %dma_start3A_17 = tpu.memref_slice %arg11[%dma_start3A_12, %dma_start3A_16] : memref<4x128xi32, #tpu.memory_space<vmem>> -> memref<1x128xi32, #tpu.memory_space<vmem>>
    %dma_start3A_18 = tpu.memref_squeeze %dma_start3A_17 : memref<1x128xi32, #tpu.memory_space<vmem>> -> memref<128xi32, #tpu.memory_space<vmem>>
    %dma_start3A_19 = arith.constant 0 : i32
    %dma_start3A_20 = arith.constant 0 : i32
    %dma_start3A_21 = tpu.memref_slice %arg5[%dma_start3A_19, %dma_start3A_20] : memref<1000000x16xf32, #tpu.memory_space<hbm>> -> memref<1000000x16xf32, #tpu.memory_space<hbm>>
    tpu.enqueue_indirect_dma source(%dma_start3A_21 : memref<1000000x16xf32, #tpu.memory_space<hbm>>) target(%dma_start3A_15 : memref<128x16xf32, #tpu.memory_space<vmem>>) offsets(%dma_start3A_18 : memref<128xi32, #tpu.memory_space<vmem>>) semaphore(%arg18 : memref<!tpu.dma_semaphore, #tpu.memory_space<semaphore_mem>>)
    %dma_start3A_22 = arith.constant 0 : i32
    %dma_start3A_23 = arith.constant 0 : i32
    %dma_start3A_24 = arith.constant 0 : i32
    %dma_start3A_25 = tpu.memref_slice %arg14[%dma_start3A_23, %dma_start3A_24] : memref<4x128xf32, #tpu.memory_space<vmem>> -> memref<1x128xf32, #tpu.memory_space<vmem>>
    %dma_start3A_26 = tpu.memref_squeeze %dma_start3A_25 : memref<1x128xf32, #tpu.memory_space<vmem>> -> memref<128xf32, #tpu.memory_space<vmem>>
    %dma_start3A_27 = arith.constant 0 : i32
    %dma_start3A_28 = tpu.memref_slice %arg10[%dma_start3A_22, %dma_start3A_27] : memref<4x128xi32, #tpu.memory_space<vmem>> -> memref<1x128xi32, #tpu.memory_space<vmem>>
    %dma_start3A_29 = tpu.memref_squeeze %dma_start3A_28 : memref<1x128xi32, #tpu.memory_space<vmem>> -> memref<128xi32, #tpu.memory_space<vmem>>
    %dma_start3A_30 = arith.constant 0 : i32
    %dma_start3A_31 = tpu.memref_slice %arg6[%dma_start3A_30] : memref<1000000xf32, #tpu.memory_space<hbm>> -> memref<1000000xf32, #tpu.memory_space<hbm>>
    tpu.enqueue_indirect_dma source(%dma_start3A_31 : memref<1000000xf32, #tpu.memory_space<hbm>>) target(%dma_start3A_26 : memref<128xf32, #tpu.memory_space<vmem>>) offsets(%dma_start3A_29 : memref<128xi32, #tpu.memory_space<vmem>>) semaphore(%arg18 : memref<!tpu.dma_semaphore, #tpu.memory_space<semaphore_mem>>)
    %dma_start3A_32 = arith.constant 0 : i32
    %dma_start3A_33 = arith.constant 0 : i32
    %dma_start3A_34 = arith.constant 0 : i32
    %dma_start3A_35 = tpu.memref_slice %arg15[%dma_start3A_33, %dma_start3A_34] : memref<4x128xf32, #tpu.memory_space<vmem>> -> memref<1x128xf32, #tpu.memory_space<vmem>>
    %dma_start3A_36 = tpu.memref_squeeze %dma_start3A_35 : memref<1x128xf32, #tpu.memory_space<vmem>> -> memref<128xf32, #tpu.memory_space<vmem>>
    %dma_start3A_37 = arith.constant 0 : i32
    %dma_start3A_38 = tpu.memref_slice %arg11[%dma_start3A_32, %dma_start3A_37] : memref<4x128xi32, #tpu.memory_space<vmem>> -> memref<1x128xi32, #tpu.memory_space<vmem>>
    %dma_start3A_39 = tpu.memref_squeeze %dma_start3A_38 : memref<1x128xi32, #tpu.memory_space<vmem>> -> memref<128xi32, #tpu.memory_space<vmem>>
    %dma_start3A_40 = arith.constant 0 : i32
    %dma_start3A_41 = tpu.memref_slice %arg7[%dma_start3A_40] : memref<1000000xf32, #tpu.memory_space<hbm>> -> memref<1000000xf32, #tpu.memory_space<hbm>>
    tpu.enqueue_indirect_dma source(%dma_start3A_41 : memref<1000000xf32, #tpu.memory_space<hbm>>) target(%dma_start3A_36 : memref<128xf32, #tpu.memory_space<vmem>>) offsets(%dma_start3A_39 : memref<128xi32, #tpu.memory_space<vmem>>) semaphore(%arg18 : memref<!tpu.dma_semaphore, #tpu.memory_space<semaphore_mem>>)
    %dma_start3A_42 = arith.constant 1 : i32
    %dma_start3A_43 = arith.constant 128 : i32
    %dma_start3A_44 = arith.constant 0 : i32
    %dma_start3A_45 = tpu.memref_slice %arg12[%dma_start3A_43, %dma_start3A_44] : memref<512x16xf32, #tpu.memory_space<vmem>> -> memref<128x16xf32, #tpu.memory_space<vmem>>
    %dma_start3A_46 = arith.constant 0 : i32
    %dma_start3A_47 = tpu.memref_slice %arg10[%dma_start3A_42, %dma_start3A_46] : memref<4x128xi32, #tpu.memory_space<vmem>> -> memref<1x128xi32, #tpu.memory_space<vmem>>
    %dma_start3A_48 = tpu.memref_squeeze %dma_start3A_47 : memref<1x128xi32, #tpu.memory_space<vmem>> -> memref<128xi32, #tpu.memory_space<vmem>>
    %dma_start3A_49 = arith.constant 0 : i32
    %dma_start3A_50 = arith.constant 0 : i32
    %dma_start3A_51 = tpu.memref_slice %arg4[%dma_start3A_49, %dma_start3A_50] : memref<1000000x16xf32, #tpu.memory_space<hbm>> -> memref<1000000x16xf32, #tpu.memory_space<hbm>>
    tpu.enqueue_indirect_dma source(%dma_start3A_51 : memref<1000000x16xf32, #tpu.memory_space<hbm>>) target(%dma_start3A_45 : memref<128x16xf32, #tpu.memory_space<vmem>>) offsets(%dma_start3A_48 : memref<128xi32, #tpu.memory_space<vmem>>) semaphore(%arg18 : memref<!tpu.dma_semaphore, #tpu.memory_space<semaphore_mem>>)
    %dma_start3A_52 = arith.constant 1 : i32
    %dma_start3A_53 = arith.constant 128 : i32
    %dma_start3A_54 = arith.constant 0 : i32
    %dma_start3A_55 = tpu.memref_slice %arg13[%dma_start3A_53, %dma_start3A_54] : memref<512x16xf32, #tpu.memory_space<vmem>> -> memref<128x16xf32, #tpu.memory_space<vmem>>
    %dma_start3A_56 = arith.constant 0 : i32
    %dma_start3A_57 = tpu.memref_slice %arg11[%dma_start3A_52, %dma_start3A_56] : memref<4x128xi32, #tpu.memory_space<vmem>> -> memref<1x128xi32, #tpu.memory_space<vmem>>
    %dma_start3A_58 = tpu.memref_squeeze %dma_start3A_57 : memref<1x128xi32, #tpu.memory_space<vmem>> -> memref<128xi32, #tpu.memory_space<vmem>>
    %dma_start3A_59 = arith.constant 0 : i32
    %dma_start3A_60 = arith.constant 0 : i32
    %dma_start3A_61 = tpu.memref_slice %arg5[%dma_start3A_59, %dma_start3A_60] : memref<1000000x16xf32, #tpu.memory_space<hbm>> -> memref<1000000x16xf32, #tpu.memory_space<hbm>>
    tpu.enqueue_indirect_dma source(%dma_start3A_61 : memref<1000000x16xf32, #tpu.memory_space<hbm>>) target(%dma_start3A_55 : memref<128x16xf32, #tpu.memory_space<vmem>>) offsets(%dma_start3A_58 : memref<128xi32, #tpu.memory_space<vmem>>) semaphore(%arg18 : memref<!tpu.dma_semaphore, #tpu.memory_space<semaphore_mem>>)
    %dma_start3A_62 = arith.constant 1 : i32
    %dma_start3A_63 = arith.constant 1 : i32
    %dma_start3A_64 = arith.constant 0 : i32
    %dma_start3A_65 = tpu.memref_slice %arg14[%dma_start3A_63, %dma_start3A_64] : memref<4x128xf32, #tpu.memory_space<vmem>> -> memref<1x128xf32, #tpu.memory_space<vmem>>
    %dma_start3A_66 = tpu.memref_squeeze %dma_start3A_65 : memref<1x128xf32, #tpu.memory_space<vmem>> -> memref<128xf32, #tpu.memory_space<vmem>>
    %dma_start3A_67 = arith.constant 0 : i32
    %dma_start3A_68 = tpu.memref_slice %arg10[%dma_start3A_62, %dma_start3A_67] : memref<4x128xi32, #tpu.memory_space<vmem>> -> memref<1x128xi32, #tpu.memory_space<vmem>>
    %dma_start3A_69 = tpu.memref_squeeze %dma_start3A_68 : memref<1x128xi32, #tpu.memory_space<vmem>> -> memref<128xi32, #tpu.memory_space<vmem>>
    %dma_start3A_70 = arith.constant 0 : i32
    %dma_start3A_71 = tpu.memref_slice %arg6[%dma_start3A_70] : memref<1000000xf32, #tpu.memory_space<hbm>> -> memref<1000000xf32, #tpu.memory_space<hbm>>
    tpu.enqueue_indirect_dma source(%dma_start3A_71 : memref<1000000xf32, #tpu.memory_space<hbm>>) target(%dma_start3A_66 : memref<128xf32, #tpu.memory_space<vmem>>) offsets(%dma_start3A_69 : memref<128xi32, #tpu.memory_space<vmem>>) semaphore(%arg18 : memref<!tpu.dma_semaphore, #tpu.memory_space<semaphore_mem>>)
    %dma_start3A_72 = arith.constant 1 : i32
    %dma_start3A_73 = arith.constant 1 : i32
    %dma_start3A_74 = arith.constant 0 : i32
    %dma_start3A_75 = tpu.memref_slice %arg15[%dma_start3A_73, %dma_start3A_74] : memref<4x128xf32, #tpu.memory_space<vmem>> -> memref<1x128xf32, #tpu.memory_space<vmem>>
    %dma_start3A_76 = tpu.memref_squeeze %dma_start3A_75 : memref<1x128xf32, #tpu.memory_space<vmem>> -> memref<128xf32, #tpu.memory_space<vmem>>
    %dma_start3A_77 = arith.constant 0 : i32
    %dma_start3A_78 = tpu.memref_slice %arg11[%dma_start3A_72, %dma_start3A_77] : memref<4x128xi32, #tpu.memory_space<vmem>> -> memref<1x128xi32, #tpu.memory_space<vmem>>
    %dma_start3A_79 = tpu.memref_squeeze %dma_start3A_78 : memref<1x128xi32, #tpu.memory_space<vmem>> -> memref<128xi32, #tpu.memory_space<vmem>>
    %dma_start3A_80 = arith.constant 0 : i32
    %dma_start3A_81 = tpu.memref_slice %arg7[%dma_start3A_80] : memref<1000000xf32, #tpu.memory_space<hbm>> -> memref<1000000xf32, #tpu.memory_space<hbm>>
    tpu.enqueue_indirect_dma source(%dma_start3A_81 : memref<1000000xf32, #tpu.memory_space<hbm>>) target(%dma_start3A_76 : memref<128xf32, #tpu.memory_space<vmem>>) offsets(%dma_start3A_79 : memref<128xi32, #tpu.memory_space<vmem>>) semaphore(%arg18 : memref<!tpu.dma_semaphore, #tpu.memory_space<semaphore_mem>>)
    %dma_start3A_82 = arith.constant 2 : i32
    %dma_start3A_83 = arith.constant 256 : i32
    %dma_start3A_84 = arith.constant 0 : i32
    %dma_start3A_85 = tpu.memref_slice %arg12[%dma_start3A_83, %dma_start3A_84] : memref<512x16xf32, #tpu.memory_space<vmem>> -> memref<128x16xf32, #tpu.memory_space<vmem>>
    %dma_start3A_86 = arith.constant 0 : i32
    %dma_start3A_87 = tpu.memref_slice %arg10[%dma_start3A_82, %dma_start3A_86] : memref<4x128xi32, #tpu.memory_space<vmem>> -> memref<1x128xi32, #tpu.memory_space<vmem>>
    %dma_start3A_88 = tpu.memref_squeeze %dma_start3A_87 : memref<1x128xi32, #tpu.memory_space<vmem>> -> memref<128xi32, #tpu.memory_space<vmem>>
    %dma_start3A_89 = arith.constant 0 : i32
    %dma_start3A_90 = arith.constant 0 : i32
    %dma_start3A_91 = tpu.memref_slice %arg4[%dma_start3A_89, %dma_start3A_90] : memref<1000000x16xf32, #tpu.memory_space<hbm>> -> memref<1000000x16xf32, #tpu.memory_space<hbm>>
    tpu.enqueue_indirect_dma source(%dma_start3A_91 : memref<1000000x16xf32, #tpu.memory_space<hbm>>) target(%dma_start3A_85 : memref<128x16xf32, #tpu.memory_space<vmem>>) offsets(%dma_start3A_88 : memref<128xi32, #tpu.memory_space<vmem>>) semaphore(%arg18 : memref<!tpu.dma_semaphore, #tpu.memory_space<semaphore_mem>>)
    %dma_start3A_92 = arith.constant 2 : i32
    %dma_start3A_93 = arith.constant 256 : i32
    %dma_start3A_94 = arith.constant 0 : i32
    %dma_start3A_95 = tpu.memref_slice %arg13[%dma_start3A_93, %dma_start3A_94] : memref<512x16xf32, #tpu.memory_space<vmem>> -> memref<128x16xf32, #tpu.memory_space<vmem>>
    %dma_start3A_96 = arith.constant 0 : i32
    %dma_start3A_97 = tpu.memref_slice %arg11[%dma_start3A_92, %dma_start3A_96] : memref<4x128xi32, #tpu.memory_space<vmem>> -> memref<1x128xi32, #tpu.memory_space<vmem>>
    %dma_start3A_98 = tpu.memref_squeeze %dma_start3A_97 : memref<1x128xi32, #tpu.memory_space<vmem>> -> memref<128xi32, #tpu.memory_space<vmem>>
    %dma_start3A_99 = arith.constant 0 : i32
    %dma_start3A_100 = arith.constant 0 : i32
    %dma_start3A_101 = tpu.memref_slice %arg5[%dma_start3A_99, %dma_start3A_100] : memref<1000000x16xf32, #tpu.memory_space<hbm>> -> memref<1000000x16xf32, #tpu.memory_space<hbm>>
    tpu.enqueue_indirect_dma source(%dma_start3A_101 : memref<1000000x16xf32, #tpu.memory_space<hbm>>) target(%dma_start3A_95 : memref<128x16xf32, #tpu.memory_space<vmem>>) offsets(%dma_start3A_98 : memref<128xi32, #tpu.memory_space<vmem>>) semaphore(%arg18 : memref<!tpu.dma_semaphore, #tpu.memory_space<semaphore_mem>>)
    %dma_start3A_102 = arith.constant 2 : i32
    %dma_start3A_103 = arith.constant 2 : i32
    %dma_start3A_104 = arith.constant 0 : i32
    %dma_start3A_105 = tpu.memref_slice %arg14[%dma_start3A_103, %dma_start3A_104] : memref<4x128xf32, #tpu.memory_space<vmem>> -> memref<1x128xf32, #tpu.memory_space<vmem>>
    %dma_start3A_106 = tpu.memref_squeeze %dma_start3A_105 : memref<1x128xf32, #tpu.memory_space<vmem>> -> memref<128xf32, #tpu.memory_space<vmem>>
    %dma_start3A_107 = arith.constant 0 : i32
    %dma_start3A_108 = tpu.memref_slice %arg10[%dma_start3A_102, %dma_start3A_107] : memref<4x128xi32, #tpu.memory_space<vmem>> -> memref<1x128xi32, #tpu.memory_space<vmem>>
    %dma_start3A_109 = tpu.memref_squeeze %dma_start3A_108 : memref<1x128xi32, #tpu.memory_space<vmem>> -> memref<128xi32, #tpu.memory_space<vmem>>
    %dma_start3A_110 = arith.constant 0 : i32
    %dma_start3A_111 = tpu.memref_slice %arg6[%dma_start3A_110] : memref<1000000xf32, #tpu.memory_space<hbm>> -> memref<1000000xf32, #tpu.memory_space<hbm>>
    tpu.enqueue_indirect_dma source(%dma_start3A_111 : memref<1000000xf32, #tpu.memory_space<hbm>>) target(%dma_start3A_106 : memref<128xf32, #tpu.memory_space<vmem>>) offsets(%dma_start3A_109 : memref<128xi32, #tpu.memory_space<vmem>>) semaphore(%arg18 : memref<!tpu.dma_semaphore, #tpu.memory_space<semaphore_mem>>)
    %dma_start3A_112 = arith.constant 2 : i32
    %dma_start3A_113 = arith.constant 2 : i32
    %dma_start3A_114 = arith.constant 0 : i32
    %dma_start3A_115 = tpu.memref_slice %arg15[%dma_start3A_113, %dma_start3A_114] : memref<4x128xf32, #tpu.memory_space<vmem>> -> memref<1x128xf32, #tpu.memory_space<vmem>>
    %dma_start3A_116 = tpu.memref_squeeze %dma_start3A_115 : memref<1x128xf32, #tpu.memory_space<vmem>> -> memref<128xf32, #tpu.memory_space<vmem>>
    %dma_start3A_117 = arith.constant 0 : i32
    %dma_start3A_118 = tpu.memref_slice %arg11[%dma_start3A_112, %dma_start3A_117] : memref<4x128xi32, #tpu.memory_space<vmem>> -> memref<1x128xi32, #tpu.memory_space<vmem>>
    %dma_start3A_119 = tpu.memref_squeeze %dma_start3A_118 : memref<1x128xi32, #tpu.memory_space<vmem>> -> memref<128xi32, #tpu.memory_space<vmem>>
    %dma_start3A_120 = arith.constant 0 : i32
    %dma_start3A_121 = tpu.memref_slice %arg7[%dma_start3A_120] : memref<1000000xf32, #tpu.memory_space<hbm>> -> memref<1000000xf32, #tpu.memory_space<hbm>>
    tpu.enqueue_indirect_dma source(%dma_start3A_121 : memref<1000000xf32, #tpu.memory_space<hbm>>) target(%dma_start3A_116 : memref<128xf32, #tpu.memory_space<vmem>>) offsets(%dma_start3A_119 : memref<128xi32, #tpu.memory_space<vmem>>) semaphore(%arg18 : memref<!tpu.dma_semaphore, #tpu.memory_space<semaphore_mem>>)
    %dma_start3A_122 = arith.constant 3 : i32
    %dma_start3A_123 = arith.constant 384 : i32
    %dma_start3A_124 = arith.constant 0 : i32
    %dma_start3A_125 = tpu.memref_slice %arg12[%dma_start3A_123, %dma_start3A_124] : memref<512x16xf32, #tpu.memory_space<vmem>> -> memref<128x16xf32, #tpu.memory_space<vmem>>
    %dma_start3A_126 = arith.constant 0 : i32
    %dma_start3A_127 = tpu.memref_slice %arg10[%dma_start3A_122, %dma_start3A_126] : memref<4x128xi32, #tpu.memory_space<vmem>> -> memref<1x128xi32, #tpu.memory_space<vmem>>
    %dma_start3A_128 = tpu.memref_squeeze %dma_start3A_127 : memref<1x128xi32, #tpu.memory_space<vmem>> -> memref<128xi32, #tpu.memory_space<vmem>>
    %dma_start3A_129 = arith.constant 0 : i32
    %dma_start3A_130 = arith.constant 0 : i32
    %dma_start3A_131 = tpu.memref_slice %arg4[%dma_start3A_129, %dma_start3A_130] : memref<1000000x16xf32, #tpu.memory_space<hbm>> -> memref<1000000x16xf32, #tpu.memory_space<hbm>>
    tpu.enqueue_indirect_dma source(%dma_start3A_131 : memref<1000000x16xf32, #tpu.memory_space<hbm>>) target(%dma_start3A_125 : memref<128x16xf32, #tpu.memory_space<vmem>>) offsets(%dma_start3A_128 : memref<128xi32, #tpu.memory_space<vmem>>) semaphore(%arg18 : memref<!tpu.dma_semaphore, #tpu.memory_space<semaphore_mem>>)
    %dma_start3A_132 = arith.constant 3 : i32
    %dma_start3A_133 = arith.constant 384 : i32
    %dma_start3A_134 = arith.constant 0 : i32
    %dma_start3A_135 = tpu.memref_slice %arg13[%dma_start3A_133, %dma_start3A_134] : memref<512x16xf32, #tpu.memory_space<vmem>> -> memref<128x16xf32, #tpu.memory_space<vmem>>
    %dma_start3A_136 = arith.constant 0 : i32
    %dma_start3A_137 = tpu.memref_slice %arg11[%dma_start3A_132, %dma_start3A_136] : memref<4x128xi32, #tpu.memory_space<vmem>> -> memref<1x128xi32, #tpu.memory_space<vmem>>
    %dma_start3A_138 = tpu.memref_squeeze %dma_start3A_137 : memref<1x128xi32, #tpu.memory_space<vmem>> -> memref<128xi32, #tpu.memory_space<vmem>>
    %dma_start3A_139 = arith.constant 0 : i32
    %dma_start3A_140 = arith.constant 0 : i32
    %dma_start3A_141 = tpu.memref_slice %arg5[%dma_start3A_139, %dma_start3A_140] : memref<1000000x16xf32, #tpu.memory_space<hbm>> -> memref<1000000x16xf32, #tpu.memory_space<hbm>>
    tpu.enqueue_indirect_dma source(%dma_start3A_141 : memref<1000000x16xf32, #tpu.memory_space<hbm>>) target(%dma_start3A_135 : memref<128x16xf32, #tpu.memory_space<vmem>>) offsets(%dma_start3A_138 : memref<128xi32, #tpu.memory_space<vmem>>) semaphore(%arg18 : memref<!tpu.dma_semaphore, #tpu.memory_space<semaphore_mem>>)
    %dma_start3A_142 = arith.constant 3 : i32
    %dma_start3A_143 = arith.constant 3 : i32
    %dma_start3A_144 = arith.constant 0 : i32
    %dma_start3A_145 = tpu.memref_slice %arg14[%dma_start3A_143, %dma_start3A_144] : memref<4x128xf32, #tpu.memory_space<vmem>> -> memref<1x128xf32, #tpu.memory_space<vmem>>
    %dma_start3A_146 = tpu.memref_squeeze %dma_start3A_145 : memref<1x128xf32, #tpu.memory_space<vmem>> -> memref<128xf32, #tpu.memory_space<vmem>>
    %dma_start3A_147 = arith.constant 0 : i32
    %dma_start3A_148 = tpu.memref_slice %arg10[%dma_start3A_142, %dma_start3A_147] : memref<4x128xi32, #tpu.memory_space<vmem>> -> memref<1x128xi32, #tpu.memory_space<vmem>>
    %dma_start3A_149 = tpu.memref_squeeze %dma_start3A_148 : memref<1x128xi32, #tpu.memory_space<vmem>> -> memref<128xi32, #tpu.memory_space<vmem>>
    %dma_start3A_150 = arith.constant 0 : i32
    %dma_start3A_151 = tpu.memref_slice %arg6[%dma_start3A_150] : memref<1000000xf32, #tpu.memory_space<hbm>> -> memref<1000000xf32, #tpu.memory_space<hbm>>
    tpu.enqueue_indirect_dma source(%dma_start3A_151 : memref<1000000xf32, #tpu.memory_space<hbm>>) target(%dma_start3A_146 : memref<128xf32, #tpu.memory_space<vmem>>) offsets(%dma_start3A_149 : memref<128xi32, #tpu.memory_space<vmem>>) semaphore(%arg18 : memref<!tpu.dma_semaphore, #tpu.memory_space<semaphore_mem>>)
    %dma_start3A_152 = arith.constant 3 : i32
    %dma_start3A_153 = arith.constant 3 : i32
    %dma_start3A_154 = arith.constant 0 : i32
    %dma_start3A_155 = tpu.memref_slice %arg15[%dma_start3A_153, %dma_start3A_154] : memref<4x128xf32, #tpu.memory_space<vmem>> -> memref<1x128xf32, #tpu.memory_space<vmem>>
    %dma_start3A_156 = tpu.memref_squeeze %dma_start3A_155 : memref<1x128xf32, #tpu.memory_space<vmem>> -> memref<128xf32, #tpu.memory_space<vmem>>
    %dma_start3A_157 = arith.constant 0 : i32
    %dma_start3A_158 = tpu.memref_slice %arg11[%dma_start3A_152, %dma_start3A_157] : memref<4x128xi32, #tpu.memory_space<vmem>> -> memref<1x128xi32, #tpu.memory_space<vmem>>
    %dma_start3A_159 = tpu.memref_squeeze %dma_start3A_158 : memref<1x128xi32, #tpu.memory_space<vmem>> -> memref<128xi32, #tpu.memory_space<vmem>>
    %dma_start3A_160 = arith.constant 0 : i32
    %dma_start3A_161 = tpu.memref_slice %arg7[%dma_start3A_160] : memref<1000000xf32, #tpu.memory_space<hbm>> -> memref<1000000xf32, #tpu.memory_space<hbm>>
    tpu.enqueue_indirect_dma source(%dma_start3A_161 : memref<1000000xf32, #tpu.memory_space<hbm>>) target(%dma_start3A_156 : memref<128xf32, #tpu.memory_space<vmem>>) offsets(%dma_start3A_159 : memref<128xi32, #tpu.memory_space<vmem>>) semaphore(%arg18 : memref<!tpu.dma_semaphore, #tpu.memory_space<semaphore_mem>>)
    %dma_wait3A = arith.constant 0 : i32
    %dma_wait3A_162 = arith.constant 0 : i32
    %dma_wait3A_163 = arith.constant 0 : i32
    %dma_wait3A_164 = tpu.memref_slice %arg12[%dma_wait3A_162, %dma_wait3A_163] : memref<512x16xf32, #tpu.memory_space<vmem>> -> memref<128x16xf32, #tpu.memory_space<vmem>>
    %dma_wait3A_165 = arith.constant 0 : i32
    %dma_wait3A_166 = tpu.memref_slice %arg10[%dma_wait3A, %dma_wait3A_165] : memref<4x128xi32, #tpu.memory_space<vmem>> -> memref<1x128xi32, #tpu.memory_space<vmem>>
    %dma_wait3A_167 = tpu.memref_squeeze %dma_wait3A_166 : memref<1x128xi32, #tpu.memory_space<vmem>> -> memref<128xi32, #tpu.memory_space<vmem>>
    %dma_wait3A_168 = arith.constant 0 : i32
    %dma_wait3A_169 = arith.constant 0 : i32
    %dma_wait3A_170 = tpu.memref_slice %arg4[%dma_wait3A_168, %dma_wait3A_169] : memref<1000000x16xf32, #tpu.memory_space<hbm>> -> memref<1000000x16xf32, #tpu.memory_space<hbm>>
    tpu.wait_indirect_dma semaphore(%arg18 : memref<!tpu.dma_semaphore, #tpu.memory_space<semaphore_mem>>) src(%dma_wait3A_170 : memref<1000000x16xf32, #tpu.memory_space<hbm>>) dst(%dma_wait3A_164 : memref<128x16xf32, #tpu.memory_space<vmem>>)
    %dma_wait3A_171 = arith.constant 0 : i32
    %dma_wait3A_172 = arith.constant 0 : i32
    %dma_wait3A_173 = arith.constant 0 : i32
    %dma_wait3A_174 = tpu.memref_slice %arg13[%dma_wait3A_172, %dma_wait3A_173] : memref<512x16xf32, #tpu.memory_space<vmem>> -> memref<128x16xf32, #tpu.memory_space<vmem>>
    %dma_wait3A_175 = arith.constant 0 : i32
    %dma_wait3A_176 = tpu.memref_slice %arg11[%dma_wait3A_171, %dma_wait3A_175] : memref<4x128xi32, #tpu.memory_space<vmem>> -> memref<1x128xi32, #tpu.memory_space<vmem>>
    %dma_wait3A_177 = tpu.memref_squeeze %dma_wait3A_176 : memref<1x128xi32, #tpu.memory_space<vmem>> -> memref<128xi32, #tpu.memory_space<vmem>>
    %dma_wait3A_178 = arith.constant 0 : i32
    %dma_wait3A_179 = arith.constant 0 : i32
    %dma_wait3A_180 = tpu.memref_slice %arg5[%dma_wait3A_178, %dma_wait3A_179] : memref<1000000x16xf32, #tpu.memory_space<hbm>> -> memref<1000000x16xf32, #tpu.memory_space<hbm>>
    tpu.wait_indirect_dma semaphore(%arg18 : memref<!tpu.dma_semaphore, #tpu.memory_space<semaphore_mem>>) src(%dma_wait3A_180 : memref<1000000x16xf32, #tpu.memory_space<hbm>>) dst(%dma_wait3A_174 : memref<128x16xf32, #tpu.memory_space<vmem>>)
    %dma_wait3A_181 = arith.constant 0 : i32
    %dma_wait3A_182 = arith.constant 0 : i32
    %dma_wait3A_183 = arith.constant 0 : i32
    %dma_wait3A_184 = tpu.memref_slice %arg14[%dma_wait3A_182, %dma_wait3A_183] : memref<4x128xf32, #tpu.memory_space<vmem>> -> memref<1x128xf32, #tpu.memory_space<vmem>>
    %dma_wait3A_185 = tpu.memref_squeeze %dma_wait3A_184 : memref<1x128xf32, #tpu.memory_space<vmem>> -> memref<128xf32, #tpu.memory_space<vmem>>
    %dma_wait3A_186 = arith.constant 0 : i32
    %dma_wait3A_187 = tpu.memref_slice %arg10[%dma_wait3A_181, %dma_wait3A_186] : memref<4x128xi32, #tpu.memory_space<vmem>> -> memref<1x128xi32, #tpu.memory_space<vmem>>
    %dma_wait3A_188 = tpu.memref_squeeze %dma_wait3A_187 : memref<1x128xi32, #tpu.memory_space<vmem>> -> memref<128xi32, #tpu.memory_space<vmem>>
    %dma_wait3A_189 = arith.constant 0 : i32
    %dma_wait3A_190 = tpu.memref_slice %arg6[%dma_wait3A_189] : memref<1000000xf32, #tpu.memory_space<hbm>> -> memref<1000000xf32, #tpu.memory_space<hbm>>
    tpu.wait_indirect_dma semaphore(%arg18 : memref<!tpu.dma_semaphore, #tpu.memory_space<semaphore_mem>>) src(%dma_wait3A_190 : memref<1000000xf32, #tpu.memory_space<hbm>>) dst(%dma_wait3A_185 : memref<128xf32, #tpu.memory_space<vmem>>)
    %dma_wait3A_191 = arith.constant 0 : i32
    %dma_wait3A_192 = arith.constant 0 : i32
    %dma_wait3A_193 = arith.constant 0 : i32
    %dma_wait3A_194 = tpu.memref_slice %arg15[%dma_wait3A_192, %dma_wait3A_193] : memref<4x128xf32, #tpu.memory_space<vmem>> -> memref<1x128xf32, #tpu.memory_space<vmem>>
    %dma_wait3A_195 = tpu.memref_squeeze %dma_wait3A_194 : memref<1x128xf32, #tpu.memory_space<vmem>> -> memref<128xf32, #tpu.memory_space<vmem>>
    %dma_wait3A_196 = arith.constant 0 : i32
    %dma_wait3A_197 = tpu.memref_slice %arg11[%dma_wait3A_191, %dma_wait3A_196] : memref<4x128xi32, #tpu.memory_space<vmem>> -> memref<1x128xi32, #tpu.memory_space<vmem>>
    %dma_wait3A_198 = tpu.memref_squeeze %dma_wait3A_197 : memref<1x128xi32, #tpu.memory_space<vmem>> -> memref<128xi32, #tpu.memory_space<vmem>>
    %dma_wait3A_199 = arith.constant 0 : i32
    %dma_wait3A_200 = tpu.memref_slice %arg7[%dma_wait3A_199] : memref<1000000xf32, #tpu.memory_space<hbm>> -> memref<1000000xf32, #tpu.memory_space<hbm>>
    tpu.wait_indirect_dma semaphore(%arg18 : memref<!tpu.dma_semaphore, #tpu.memory_space<semaphore_mem>>) src(%dma_wait3A_200 : memref<1000000xf32, #tpu.memory_space<hbm>>) dst(%dma_wait3A_195 : memref<128xf32, #tpu.memory_space<vmem>>)
    %dma_wait3A_201 = arith.constant 1 : i32
    %dma_wait3A_202 = arith.constant 128 : i32
    %dma_wait3A_203 = arith.constant 0 : i32
    %dma_wait3A_204 = tpu.memref_slice %arg12[%dma_wait3A_202, %dma_wait3A_203] : memref<512x16xf32, #tpu.memory_space<vmem>> -> memref<128x16xf32, #tpu.memory_space<vmem>>
    %dma_wait3A_205 = arith.constant 0 : i32
    %dma_wait3A_206 = tpu.memref_slice %arg10[%dma_wait3A_201, %dma_wait3A_205] : memref<4x128xi32, #tpu.memory_space<vmem>> -> memref<1x128xi32, #tpu.memory_space<vmem>>
    %dma_wait3A_207 = tpu.memref_squeeze %dma_wait3A_206 : memref<1x128xi32, #tpu.memory_space<vmem>> -> memref<128xi32, #tpu.memory_space<vmem>>
    %dma_wait3A_208 = arith.constant 0 : i32
    %dma_wait3A_209 = arith.constant 0 : i32
    %dma_wait3A_210 = tpu.memref_slice %arg4[%dma_wait3A_208, %dma_wait3A_209] : memref<1000000x16xf32, #tpu.memory_space<hbm>> -> memref<1000000x16xf32, #tpu.memory_space<hbm>>
    tpu.wait_indirect_dma semaphore(%arg18 : memref<!tpu.dma_semaphore, #tpu.memory_space<semaphore_mem>>) src(%dma_wait3A_210 : memref<1000000x16xf32, #tpu.memory_space<hbm>>) dst(%dma_wait3A_204 : memref<128x16xf32, #tpu.memory_space<vmem>>)
    %dma_wait3A_211 = arith.constant 1 : i32
    %dma_wait3A_212 = arith.constant 128 : i32
    %dma_wait3A_213 = arith.constant 0 : i32
    %dma_wait3A_214 = tpu.memref_slice %arg13[%dma_wait3A_212, %dma_wait3A_213] : memref<512x16xf32, #tpu.memory_space<vmem>> -> memref<128x16xf32, #tpu.memory_space<vmem>>
    %dma_wait3A_215 = arith.constant 0 : i32
    %dma_wait3A_216 = tpu.memref_slice %arg11[%dma_wait3A_211, %dma_wait3A_215] : memref<4x128xi32, #tpu.memory_space<vmem>> -> memref<1x128xi32, #tpu.memory_space<vmem>>
    %dma_wait3A_217 = tpu.memref_squeeze %dma_wait3A_216 : memref<1x128xi32, #tpu.memory_space<vmem>> -> memref<128xi32, #tpu.memory_space<vmem>>
    %dma_wait3A_218 = arith.constant 0 : i32
    %dma_wait3A_219 = arith.constant 0 : i32
    %dma_wait3A_220 = tpu.memref_slice %arg5[%dma_wait3A_218, %dma_wait3A_219] : memref<1000000x16xf32, #tpu.memory_space<hbm>> -> memref<1000000x16xf32, #tpu.memory_space<hbm>>
    tpu.wait_indirect_dma semaphore(%arg18 : memref<!tpu.dma_semaphore, #tpu.memory_space<semaphore_mem>>) src(%dma_wait3A_220 : memref<1000000x16xf32, #tpu.memory_space<hbm>>) dst(%dma_wait3A_214 : memref<128x16xf32, #tpu.memory_space<vmem>>)
    %dma_wait3A_221 = arith.constant 1 : i32
    %dma_wait3A_222 = arith.constant 1 : i32
    %dma_wait3A_223 = arith.constant 0 : i32
    %dma_wait3A_224 = tpu.memref_slice %arg14[%dma_wait3A_222, %dma_wait3A_223] : memref<4x128xf32, #tpu.memory_space<vmem>> -> memref<1x128xf32, #tpu.memory_space<vmem>>
    %dma_wait3A_225 = tpu.memref_squeeze %dma_wait3A_224 : memref<1x128xf32, #tpu.memory_space<vmem>> -> memref<128xf32, #tpu.memory_space<vmem>>
    %dma_wait3A_226 = arith.constant 0 : i32
    %dma_wait3A_227 = tpu.memref_slice %arg10[%dma_wait3A_221, %dma_wait3A_226] : memref<4x128xi32, #tpu.memory_space<vmem>> -> memref<1x128xi32, #tpu.memory_space<vmem>>
    %dma_wait3A_228 = tpu.memref_squeeze %dma_wait3A_227 : memref<1x128xi32, #tpu.memory_space<vmem>> -> memref<128xi32, #tpu.memory_space<vmem>>
    %dma_wait3A_229 = arith.constant 0 : i32
    %dma_wait3A_230 = tpu.memref_slice %arg6[%dma_wait3A_229] : memref<1000000xf32, #tpu.memory_space<hbm>> -> memref<1000000xf32, #tpu.memory_space<hbm>>
    tpu.wait_indirect_dma semaphore(%arg18 : memref<!tpu.dma_semaphore, #tpu.memory_space<semaphore_mem>>) src(%dma_wait3A_230 : memref<1000000xf32, #tpu.memory_space<hbm>>) dst(%dma_wait3A_225 : memref<128xf32, #tpu.memory_space<vmem>>)
    %dma_wait3A_231 = arith.constant 1 : i32
    %dma_wait3A_232 = arith.constant 1 : i32
    %dma_wait3A_233 = arith.constant 0 : i32
    %dma_wait3A_234 = tpu.memref_slice %arg15[%dma_wait3A_232, %dma_wait3A_233] : memref<4x128xf32, #tpu.memory_space<vmem>> -> memref<1x128xf32, #tpu.memory_space<vmem>>
    %dma_wait3A_235 = tpu.memref_squeeze %dma_wait3A_234 : memref<1x128xf32, #tpu.memory_space<vmem>> -> memref<128xf32, #tpu.memory_space<vmem>>
    %dma_wait3A_236 = arith.constant 0 : i32
    %dma_wait3A_237 = tpu.memref_slice %arg11[%dma_wait3A_231, %dma_wait3A_236] : memref<4x128xi32, #tpu.memory_space<vmem>> -> memref<1x128xi32, #tpu.memory_space<vmem>>
    %dma_wait3A_238 = tpu.memref_squeeze %dma_wait3A_237 : memref<1x128xi32, #tpu.memory_space<vmem>> -> memref<128xi32, #tpu.memory_space<vmem>>
    %dma_wait3A_239 = arith.constant 0 : i32
    %dma_wait3A_240 = tpu.memref_slice %arg7[%dma_wait3A_239] : memref<1000000xf32, #tpu.memory_space<hbm>> -> memref<1000000xf32, #tpu.memory_space<hbm>>
    tpu.wait_indirect_dma semaphore(%arg18 : memref<!tpu.dma_semaphore, #tpu.memory_space<semaphore_mem>>) src(%dma_wait3A_240 : memref<1000000xf32, #tpu.memory_space<hbm>>) dst(%dma_wait3A_235 : memref<128xf32, #tpu.memory_space<vmem>>)
    %dma_wait3A_241 = arith.constant 2 : i32
    %dma_wait3A_242 = arith.constant 256 : i32
    %dma_wait3A_243 = arith.constant 0 : i32
    %dma_wait3A_244 = tpu.memref_slice %arg12[%dma_wait3A_242, %dma_wait3A_243] : memref<512x16xf32, #tpu.memory_space<vmem>> -> memref<128x16xf32, #tpu.memory_space<vmem>>
    %dma_wait3A_245 = arith.constant 0 : i32
    %dma_wait3A_246 = tpu.memref_slice %arg10[%dma_wait3A_241, %dma_wait3A_245] : memref<4x128xi32, #tpu.memory_space<vmem>> -> memref<1x128xi32, #tpu.memory_space<vmem>>
    %dma_wait3A_247 = tpu.memref_squeeze %dma_wait3A_246 : memref<1x128xi32, #tpu.memory_space<vmem>> -> memref<128xi32, #tpu.memory_space<vmem>>
    %dma_wait3A_248 = arith.constant 0 : i32
    %dma_wait3A_249 = arith.constant 0 : i32
    %dma_wait3A_250 = tpu.memref_slice %arg4[%dma_wait3A_248, %dma_wait3A_249] : memref<1000000x16xf32, #tpu.memory_space<hbm>> -> memref<1000000x16xf32, #tpu.memory_space<hbm>>
    tpu.wait_indirect_dma semaphore(%arg18 : memref<!tpu.dma_semaphore, #tpu.memory_space<semaphore_mem>>) src(%dma_wait3A_250 : memref<1000000x16xf32, #tpu.memory_space<hbm>>) dst(%dma_wait3A_244 : memref<128x16xf32, #tpu.memory_space<vmem>>)
    %dma_wait3A_251 = arith.constant 2 : i32
    %dma_wait3A_252 = arith.constant 256 : i32
    %dma_wait3A_253 = arith.constant 0 : i32
    %dma_wait3A_254 = tpu.memref_slice %arg13[%dma_wait3A_252, %dma_wait3A_253] : memref<512x16xf32, #tpu.memory_space<vmem>> -> memref<128x16xf32, #tpu.memory_space<vmem>>
    %dma_wait3A_255 = arith.constant 0 : i32
    %dma_wait3A_256 = tpu.memref_slice %arg11[%dma_wait3A_251, %dma_wait3A_255] : memref<4x128xi32, #tpu.memory_space<vmem>> -> memref<1x128xi32, #tpu.memory_space<vmem>>
    %dma_wait3A_257 = tpu.memref_squeeze %dma_wait3A_256 : memref<1x128xi32, #tpu.memory_space<vmem>> -> memref<128xi32, #tpu.memory_space<vmem>>
    %dma_wait3A_258 = arith.constant 0 : i32
    %dma_wait3A_259 = arith.constant 0 : i32
    %dma_wait3A_260 = tpu.memref_slice %arg5[%dma_wait3A_258, %dma_wait3A_259] : memref<1000000x16xf32, #tpu.memory_space<hbm>> -> memref<1000000x16xf32, #tpu.memory_space<hbm>>
    tpu.wait_indirect_dma semaphore(%arg18 : memref<!tpu.dma_semaphore, #tpu.memory_space<semaphore_mem>>) src(%dma_wait3A_260 : memref<1000000x16xf32, #tpu.memory_space<hbm>>) dst(%dma_wait3A_254 : memref<128x16xf32, #tpu.memory_space<vmem>>)
    %dma_wait3A_261 = arith.constant 2 : i32
    %dma_wait3A_262 = arith.constant 2 : i32
    %dma_wait3A_263 = arith.constant 0 : i32
    %dma_wait3A_264 = tpu.memref_slice %arg14[%dma_wait3A_262, %dma_wait3A_263] : memref<4x128xf32, #tpu.memory_space<vmem>> -> memref<1x128xf32, #tpu.memory_space<vmem>>
    %dma_wait3A_265 = tpu.memref_squeeze %dma_wait3A_264 : memref<1x128xf32, #tpu.memory_space<vmem>> -> memref<128xf32, #tpu.memory_space<vmem>>
    %dma_wait3A_266 = arith.constant 0 : i32
    %dma_wait3A_267 = tpu.memref_slice %arg10[%dma_wait3A_261, %dma_wait3A_266] : memref<4x128xi32, #tpu.memory_space<vmem>> -> memref<1x128xi32, #tpu.memory_space<vmem>>
    %dma_wait3A_268 = tpu.memref_squeeze %dma_wait3A_267 : memref<1x128xi32, #tpu.memory_space<vmem>> -> memref<128xi32, #tpu.memory_space<vmem>>
    %dma_wait3A_269 = arith.constant 0 : i32
    %dma_wait3A_270 = tpu.memref_slice %arg6[%dma_wait3A_269] : memref<1000000xf32, #tpu.memory_space<hbm>> -> memref<1000000xf32, #tpu.memory_space<hbm>>
    tpu.wait_indirect_dma semaphore(%arg18 : memref<!tpu.dma_semaphore, #tpu.memory_space<semaphore_mem>>) src(%dma_wait3A_270 : memref<1000000xf32, #tpu.memory_space<hbm>>) dst(%dma_wait3A_265 : memref<128xf32, #tpu.memory_space<vmem>>)
    %dma_wait3A_271 = arith.constant 2 : i32
    %dma_wait3A_272 = arith.constant 2 : i32
    %dma_wait3A_273 = arith.constant 0 : i32
    %dma_wait3A_274 = tpu.memref_slice %arg15[%dma_wait3A_272, %dma_wait3A_273] : memref<4x128xf32, #tpu.memory_space<vmem>> -> memref<1x128xf32, #tpu.memory_space<vmem>>
    %dma_wait3A_275 = tpu.memref_squeeze %dma_wait3A_274 : memref<1x128xf32, #tpu.memory_space<vmem>> -> memref<128xf32, #tpu.memory_space<vmem>>
    %dma_wait3A_276 = arith.constant 0 : i32
    %dma_wait3A_277 = tpu.memref_slice %arg11[%dma_wait3A_271, %dma_wait3A_276] : memref<4x128xi32, #tpu.memory_space<vmem>> -> memref<1x128xi32, #tpu.memory_space<vmem>>
    %dma_wait3A_278 = tpu.memref_squeeze %dma_wait3A_277 : memref<1x128xi32, #tpu.memory_space<vmem>> -> memref<128xi32, #tpu.memory_space<vmem>>
    %dma_wait3A_279 = arith.constant 0 : i32
    %dma_wait3A_280 = tpu.memref_slice %arg7[%dma_wait3A_279] : memref<1000000xf32, #tpu.memory_space<hbm>> -> memref<1000000xf32, #tpu.memory_space<hbm>>
    tpu.wait_indirect_dma semaphore(%arg18 : memref<!tpu.dma_semaphore, #tpu.memory_space<semaphore_mem>>) src(%dma_wait3A_280 : memref<1000000xf32, #tpu.memory_space<hbm>>) dst(%dma_wait3A_275 : memref<128xf32, #tpu.memory_space<vmem>>)
    %dma_wait3A_281 = arith.constant 3 : i32
    %dma_wait3A_282 = arith.constant 384 : i32
    %dma_wait3A_283 = arith.constant 0 : i32
    %dma_wait3A_284 = tpu.memref_slice %arg12[%dma_wait3A_282, %dma_wait3A_283] : memref<512x16xf32, #tpu.memory_space<vmem>> -> memref<128x16xf32, #tpu.memory_space<vmem>>
    %dma_wait3A_285 = arith.constant 0 : i32
    %dma_wait3A_286 = tpu.memref_slice %arg10[%dma_wait3A_281, %dma_wait3A_285] : memref<4x128xi32, #tpu.memory_space<vmem>> -> memref<1x128xi32, #tpu.memory_space<vmem>>
    %dma_wait3A_287 = tpu.memref_squeeze %dma_wait3A_286 : memref<1x128xi32, #tpu.memory_space<vmem>> -> memref<128xi32, #tpu.memory_space<vmem>>
    %dma_wait3A_288 = arith.constant 0 : i32
    %dma_wait3A_289 = arith.constant 0 : i32
    %dma_wait3A_290 = tpu.memref_slice %arg4[%dma_wait3A_288, %dma_wait3A_289] : memref<1000000x16xf32, #tpu.memory_space<hbm>> -> memref<1000000x16xf32, #tpu.memory_space<hbm>>
    tpu.wait_indirect_dma semaphore(%arg18 : memref<!tpu.dma_semaphore, #tpu.memory_space<semaphore_mem>>) src(%dma_wait3A_290 : memref<1000000x16xf32, #tpu.memory_space<hbm>>) dst(%dma_wait3A_284 : memref<128x16xf32, #tpu.memory_space<vmem>>)
    %dma_wait3A_291 = arith.constant 3 : i32
    %dma_wait3A_292 = arith.constant 384 : i32
    %dma_wait3A_293 = arith.constant 0 : i32
    %dma_wait3A_294 = tpu.memref_slice %arg13[%dma_wait3A_292, %dma_wait3A_293] : memref<512x16xf32, #tpu.memory_space<vmem>> -> memref<128x16xf32, #tpu.memory_space<vmem>>
    %dma_wait3A_295 = arith.constant 0 : i32
    %dma_wait3A_296 = tpu.memref_slice %arg11[%dma_wait3A_291, %dma_wait3A_295] : memref<4x128xi32, #tpu.memory_space<vmem>> -> memref<1x128xi32, #tpu.memory_space<vmem>>
    %dma_wait3A_297 = tpu.memref_squeeze %dma_wait3A_296 : memref<1x128xi32, #tpu.memory_space<vmem>> -> memref<128xi32, #tpu.memory_space<vmem>>
    %dma_wait3A_298 = arith.constant 0 : i32
    %dma_wait3A_299 = arith.constant 0 : i32
    %dma_wait3A_300 = tpu.memref_slice %arg5[%dma_wait3A_298, %dma_wait3A_299] : memref<1000000x16xf32, #tpu.memory_space<hbm>> -> memref<1000000x16xf32, #tpu.memory_space<hbm>>
    tpu.wait_indirect_dma semaphore(%arg18 : memref<!tpu.dma_semaphore, #tpu.memory_space<semaphore_mem>>) src(%dma_wait3A_300 : memref<1000000x16xf32, #tpu.memory_space<hbm>>) dst(%dma_wait3A_294 : memref<128x16xf32, #tpu.memory_space<vmem>>)
    %dma_wait3A_301 = arith.constant 3 : i32
    %dma_wait3A_302 = arith.constant 3 : i32
    %dma_wait3A_303 = arith.constant 0 : i32
    %dma_wait3A_304 = tpu.memref_slice %arg14[%dma_wait3A_302, %dma_wait3A_303] : memref<4x128xf32, #tpu.memory_space<vmem>> -> memref<1x128xf32, #tpu.memory_space<vmem>>
    %dma_wait3A_305 = tpu.memref_squeeze %dma_wait3A_304 : memref<1x128xf32, #tpu.memory_space<vmem>> -> memref<128xf32, #tpu.memory_space<vmem>>
    %dma_wait3A_306 = arith.constant 0 : i32
    %dma_wait3A_307 = tpu.memref_slice %arg10[%dma_wait3A_301, %dma_wait3A_306] : memref<4x128xi32, #tpu.memory_space<vmem>> -> memref<1x128xi32, #tpu.memory_space<vmem>>
    %dma_wait3A_308 = tpu.memref_squeeze %dma_wait3A_307 : memref<1x128xi32, #tpu.memory_space<vmem>> -> memref<128xi32, #tpu.memory_space<vmem>>
    %dma_wait3A_309 = arith.constant 0 : i32
    %dma_wait3A_310 = tpu.memref_slice %arg6[%dma_wait3A_309] : memref<1000000xf32, #tpu.memory_space<hbm>> -> memref<1000000xf32, #tpu.memory_space<hbm>>
    tpu.wait_indirect_dma semaphore(%arg18 : memref<!tpu.dma_semaphore, #tpu.memory_space<semaphore_mem>>) src(%dma_wait3A_310 : memref<1000000xf32, #tpu.memory_space<hbm>>) dst(%dma_wait3A_305 : memref<128xf32, #tpu.memory_space<vmem>>)
    %dma_wait3A_311 = arith.constant 3 : i32
    %dma_wait3A_312 = arith.constant 3 : i32
    %dma_wait3A_313 = arith.constant 0 : i32
    %dma_wait3A_314 = tpu.memref_slice %arg15[%dma_wait3A_312, %dma_wait3A_313] : memref<4x128xf32, #tpu.memory_space<vmem>> -> memref<1x128xf32, #tpu.memory_space<vmem>>
    %dma_wait3A_315 = tpu.memref_squeeze %dma_wait3A_314 : memref<1x128xf32, #tpu.memory_space<vmem>> -> memref<128xf32, #tpu.memory_space<vmem>>
    %dma_wait3A_316 = arith.constant 0 : i32
    %dma_wait3A_317 = tpu.memref_slice %arg11[%dma_wait3A_311, %dma_wait3A_316] : memref<4x128xi32, #tpu.memory_space<vmem>> -> memref<1x128xi32, #tpu.memory_space<vmem>>
    %dma_wait3A_318 = tpu.memref_squeeze %dma_wait3A_317 : memref<1x128xi32, #tpu.memory_space<vmem>> -> memref<128xi32, #tpu.memory_space<vmem>>
    %dma_wait3A_319 = arith.constant 0 : i32
    %dma_wait3A_320 = tpu.memref_slice %arg7[%dma_wait3A_319] : memref<1000000xf32, #tpu.memory_space<hbm>> -> memref<1000000xf32, #tpu.memory_space<hbm>>
    tpu.wait_indirect_dma semaphore(%arg18 : memref<!tpu.dma_semaphore, #tpu.memory_space<semaphore_mem>>) src(%dma_wait3A_320 : memref<1000000xf32, #tpu.memory_space<hbm>>) dst(%dma_wait3A_315 : memref<128xf32, #tpu.memory_space<vmem>>)
    %broadcast_in_dim3A = arith.constant 0.000000e+00 : f32
    %broadcast_in_dim3A_321 = vector.broadcast %broadcast_in_dim3A : f32 to vector<16xf32>
    %scan3A = arith.constant 0 : i32
    %scan3A_322 = arith.constant 512 : i32
    %scan3A_323 = arith.addi %scan3A, %scan3A_322 : i32
    %scan3A_324 = arith.constant 1 : i32
    %scan3A_325 = scf.for %scan3A_875 = %scan3A to %scan3A_323 step %scan3A_324 iter_args(%scan3A_876 = %broadcast_in_dim3A_321) -> (vector<16xf32>)  : i32 {
      %get3A_877 = arith.index_cast %scan3A_875 : i32 to index
      %get3A_878 = arith.constant 0 : index
      %get3A_879 = tpu.vector_load %arg12[%get3A_877, %get3A_878] {strides = array<i32>} : memref<512x16xf32, #tpu.memory_space<vmem>>, vector<1x16xf32>,
      %get3A_880 = vector.shape_cast %get3A_879 : vector<1x16xf32> to vector<16xf32>
      %get3A_881 = arith.index_cast %scan3A_875 : i32 to index
      %get3A_882 = arith.constant 0 : index
      %get3A_883 = tpu.vector_load %arg13[%get3A_881, %get3A_882] {strides = array<i32>} : memref<512x16xf32, #tpu.memory_space<vmem>>, vector<1x16xf32>,
      %get3A_884 = vector.shape_cast %get3A_883 : vector<1x16xf32> to vector<16xf32>
      %mul3A_885 = arith.mulf %get3A_880, %get3A_884 : vector<16xf32>
      %add3A_886 = arith.addf %scan3A_876, %mul3A_885 : vector<16xf32>
      scf.yield %add3A_886 : vector<16xf32>
    }
    %scan3A_326 = arith.constant 512 : i32
    %swap3A = arith.constant 0 : index
    %swap3A_327 = tpu.vector_load %arg17[%swap3A] {strides = array<i32>} : memref<16xf32, #tpu.memory_space<vmem>>, vector<16xf32>,
    %swap3A_328 = vector.shape_cast %swap3A_327 : vector<16xf32> to vector<16xf32>
    %swap3A_329 = vector.shape_cast %scan3A_325 : vector<16xf32> to vector<16xf32>
    tpu.vector_store %arg17[%swap3A], %swap3A_329 {strides = array<i32>} : memref<16xf32, #tpu.memory_space<vmem>>, vector<16xf32>,
    %mul3A_330 = arith.constant 16 : i32
    %mul3A_331 = arith.muli %add3A, %mul3A_330 : i32
    "tpu.region"() ({
      %run_scoped3A = tpu.sem_alloc : memref<!tpu.dma_semaphore, #tpu.memory_space<semaphore_mem>>
      %dma_start3A_875 = tpu.memref_slice %arg8[%mul3A_331] : memref<512xf32, #tpu.memory_space<hbm>> -> memref<16xf32, #tpu.memory_space<hbm>>
      %dma_start3A_876 = tpu.memref_slice %arg8[%mul3A_331] : memref<512xf32, #tpu.memory_space<hbm>> -> memref<16xf32, #tpu.memory_space<hbm>>
      tpu.enqueue_dma source(%arg17 : memref<16xf32, #tpu.memory_space<vmem>>) target(%dma_start3A_876 : memref<16xf32, #tpu.memory_space<hbm>>) target_semaphore(%run_scoped3A : memref<!tpu.dma_semaphore, #tpu.memory_space<semaphore_mem>>)
      %dma_wait3A_877 = tpu.memref_slice %arg8[%mul3A_331] : memref<512xf32, #tpu.memory_space<hbm>> -> memref<16xf32, #tpu.memory_space<hbm>>
      %dma_wait3A_878 = tpu.memref_slice %arg8[%mul3A_331] : memref<512xf32, #tpu.memory_space<hbm>> -> memref<16xf32, #tpu.memory_space<hbm>>
      tpu.wait_dma2 semaphore(%run_scoped3A : memref<!tpu.dma_semaphore, #tpu.memory_space<semaphore_mem>>) src(%arg17 : memref<16xf32, #tpu.memory_space<vmem>>) dst(%dma_wait3A_878 : memref<16xf32, #tpu.memory_space<hbm>>)
      tpu.yield
    }) : () -> ()
    %get3A = arith.constant 0 : i32
    %get3A_332 = arith.index_cast %get3A : i32 to index
    %get3A_333 = arith.constant 0 : index
    %get3A_334 = tpu.vector_load %arg14[%get3A_332, %get3A_333] {strides = array<i32>} : memref<4x128xf32, #tpu.memory_space<vmem>>, vector<1x16xf32>,
    %get3A_335 = vector.shape_cast %get3A_334 : vector<1x16xf32> to vector<16xf32>
    %get3A_336 = arith.constant 0 : i32
    %get3A_337 = arith.index_cast %get3A_336 : i32 to index
    %get3A_338 = arith.constant 0 : index
    %get3A_339 = tpu.vector_load %arg15[%get3A_337, %get3A_338] {strides = array<i32>} : memref<4x128xf32, #tpu.memory_space<vmem>>, vector<1x16xf32>,
    %get3A_340 = vector.shape_cast %get3A_339 : vector<1x16xf32> to vector<16xf32>
    %add3A_341 = arith.addf %get3A_335, %get3A_340 : vector<16xf32>
    %swap3A_342 = arith.constant 0 : i32
    %swap3A_343 = arith.index_cast %swap3A_342 : i32 to index
    %swap3A_344 = arith.constant 0 : index
    %swap3A_345 = tpu.vector_load %arg16[%swap3A_343, %swap3A_344] {strides = array<i32>} : memref<4x128xf32, #tpu.memory_space<vmem>>, vector<1x16xf32>,
    %swap3A_346 = vector.shape_cast %swap3A_345 : vector<1x16xf32> to vector<16xf32>
    %swap3A_347 = vector.shape_cast %add3A_341 : vector<16xf32> to vector<1x16xf32>
    tpu.vector_store %arg16[%swap3A_343, %swap3A_344], %swap3A_347 {strides = array<i32>} : memref<4x128xf32, #tpu.memory_space<vmem>>, vector<1x16xf32>,
    %get3A_348 = arith.constant 0 : i32
    %get3A_349 = arith.index_cast %get3A_348 : i32 to index
    %get3A_350 = arith.constant 16 : index
    %get3A_351 = tpu.vector_load %arg14[%get3A_349, %get3A_350] {strides = array<i32>} : memref<4x128xf32, #tpu.memory_space<vmem>>, vector<1x16xf32>,
    %get3A_352 = vector.shape_cast %get3A_351 : vector<1x16xf32> to vector<16xf32>
    %get3A_353 = arith.constant 0 : i32
    %get3A_354 = arith.index_cast %get3A_353 : i32 to index
    %get3A_355 = arith.constant 16 : index
    %get3A_356 = tpu.vector_load %arg15[%get3A_354, %get3A_355] {strides = array<i32>} : memref<4x128xf32, #tpu.memory_space<vmem>>, vector<1x16xf32>,
    %get3A_357 = vector.shape_cast %get3A_356 : vector<1x16xf32> to vector<16xf32>
    %add3A_358 = arith.addf %get3A_352, %get3A_357 : vector<16xf32>
    %swap3A_359 = arith.constant 0 : i32
    %swap3A_360 = arith.index_cast %swap3A_359 : i32 to index
    %swap3A_361 = arith.constant 16 : index
    %swap3A_362 = tpu.vector_load %arg16[%swap3A_360, %swap3A_361] {strides = array<i32>} : memref<4x128xf32, #tpu.memory_space<vmem>>, vector<1x16xf32>,
    %swap3A_363 = vector.shape_cast %swap3A_362 : vector<1x16xf32> to vector<16xf32>
    %swap3A_364 = vector.shape_cast %add3A_358 : vector<16xf32> to vector<1x16xf32>
    tpu.vector_store %arg16[%swap3A_360, %swap3A_361], %swap3A_364 {strides = array<i32>} : memref<4x128xf32, #tpu.memory_space<vmem>>, vector<1x16xf32>,
    %get3A_365 = arith.constant 0 : i32
    %get3A_366 = arith.index_cast %get3A_365 : i32 to index
    %get3A_367 = arith.constant 32 : index
    %get3A_368 = tpu.vector_load %arg14[%get3A_366, %get3A_367] {strides = array<i32>} : memref<4x128xf32, #tpu.memory_space<vmem>>, vector<1x16xf32>,
    %get3A_369 = vector.shape_cast %get3A_368 : vector<1x16xf32> to vector<16xf32>
    %get3A_370 = arith.constant 0 : i32
    %get3A_371 = arith.index_cast %get3A_370 : i32 to index
    %get3A_372 = arith.constant 32 : index
    %get3A_373 = tpu.vector_load %arg15[%get3A_371, %get3A_372] {strides = array<i32>} : memref<4x128xf32, #tpu.memory_space<vmem>>, vector<1x16xf32>,
    %get3A_374 = vector.shape_cast %get3A_373 : vector<1x16xf32> to vector<16xf32>
    %add3A_375 = arith.addf %get3A_369, %get3A_374 : vector<16xf32>
    %swap3A_376 = arith.constant 0 : i32
    %swap3A_377 = arith.index_cast %swap3A_376 : i32 to index
    %swap3A_378 = arith.constant 32 : index
    %swap3A_379 = tpu.vector_load %arg16[%swap3A_377, %swap3A_378] {strides = array<i32>} : memref<4x128xf32, #tpu.memory_space<vmem>>, vector<1x16xf32>,
    %swap3A_380 = vector.shape_cast %swap3A_379 : vector<1x16xf32> to vector<16xf32>
    %swap3A_381 = vector.shape_cast %add3A_375 : vector<16xf32> to vector<1x16xf32>
    tpu.vector_store %arg16[%swap3A_377, %swap3A_378], %swap3A_381 {strides = array<i32>} : memref<4x128xf32, #tpu.memory_space<vmem>>, vector<1x16xf32>,
    %get3A_382 = arith.constant 0 : i32
    %get3A_383 = arith.index_cast %get3A_382 : i32 to index
    %get3A_384 = arith.constant 48 : index
    %get3A_385 = tpu.vector_load %arg14[%get3A_383, %get3A_384] {strides = array<i32>} : memref<4x128xf32, #tpu.memory_space<vmem>>, vector<1x16xf32>,
    %get3A_386 = vector.shape_cast %get3A_385 : vector<1x16xf32> to vector<16xf32>
    %get3A_387 = arith.constant 0 : i32
    %get3A_388 = arith.index_cast %get3A_387 : i32 to index
    %get3A_389 = arith.constant 48 : index
    %get3A_390 = tpu.vector_load %arg15[%get3A_388, %get3A_389] {strides = array<i32>} : memref<4x128xf32, #tpu.memory_space<vmem>>, vector<1x16xf32>,
    %get3A_391 = vector.shape_cast %get3A_390 : vector<1x16xf32> to vector<16xf32>
    %add3A_392 = arith.addf %get3A_386, %get3A_391 : vector<16xf32>
    %swap3A_393 = arith.constant 0 : i32
    %swap3A_394 = arith.index_cast %swap3A_393 : i32 to index
    %swap3A_395 = arith.constant 48 : index
    %swap3A_396 = tpu.vector_load %arg16[%swap3A_394, %swap3A_395] {strides = array<i32>} : memref<4x128xf32, #tpu.memory_space<vmem>>, vector<1x16xf32>,
    %swap3A_397 = vector.shape_cast %swap3A_396 : vector<1x16xf32> to vector<16xf32>
    %swap3A_398 = vector.shape_cast %add3A_392 : vector<16xf32> to vector<1x16xf32>
    tpu.vector_store %arg16[%swap3A_394, %swap3A_395], %swap3A_398 {strides = array<i32>} : memref<4x128xf32, #tpu.memory_space<vmem>>, vector<1x16xf32>,
    %get3A_399 = arith.constant 0 : i32
    %get3A_400 = arith.index_cast %get3A_399 : i32 to index
    %get3A_401 = arith.constant 64 : index
    %get3A_402 = tpu.vector_load %arg14[%get3A_400, %get3A_401] {strides = array<i32>} : memref<4x128xf32, #tpu.memory_space<vmem>>, vector<1x16xf32>,
    %get3A_403 = vector.shape_cast %get3A_402 : vector<1x16xf32> to vector<16xf32>
    %get3A_404 = arith.constant 0 : i32
    %get3A_405 = arith.index_cast %get3A_404 : i32 to index
    %get3A_406 = arith.constant 64 : index
    %get3A_407 = tpu.vector_load %arg15[%get3A_405, %get3A_406] {strides = array<i32>} : memref<4x128xf32, #tpu.memory_space<vmem>>, vector<1x16xf32>,
    %get3A_408 = vector.shape_cast %get3A_407 : vector<1x16xf32> to vector<16xf32>
    %add3A_409 = arith.addf %get3A_403, %get3A_408 : vector<16xf32>
    %swap3A_410 = arith.constant 0 : i32
    %swap3A_411 = arith.index_cast %swap3A_410 : i32 to index
    %swap3A_412 = arith.constant 64 : index
    %swap3A_413 = tpu.vector_load %arg16[%swap3A_411, %swap3A_412] {strides = array<i32>} : memref<4x128xf32, #tpu.memory_space<vmem>>, vector<1x16xf32>,
    %swap3A_414 = vector.shape_cast %swap3A_413 : vector<1x16xf32> to vector<16xf32>
    %swap3A_415 = vector.shape_cast %add3A_409 : vector<16xf32> to vector<1x16xf32>
    tpu.vector_store %arg16[%swap3A_411, %swap3A_412], %swap3A_415 {strides = array<i32>} : memref<4x128xf32, #tpu.memory_space<vmem>>, vector<1x16xf32>,
    %get3A_416 = arith.constant 0 : i32
    %get3A_417 = arith.index_cast %get3A_416 : i32 to index
    %get3A_418 = arith.constant 80 : index
    %get3A_419 = tpu.vector_load %arg14[%get3A_417, %get3A_418] {strides = array<i32>} : memref<4x128xf32, #tpu.memory_space<vmem>>, vector<1x16xf32>,
    %get3A_420 = vector.shape_cast %get3A_419 : vector<1x16xf32> to vector<16xf32>
    %get3A_421 = arith.constant 0 : i32
    %get3A_422 = arith.index_cast %get3A_421 : i32 to index
    %get3A_423 = arith.constant 80 : index
    %get3A_424 = tpu.vector_load %arg15[%get3A_422, %get3A_423] {strides = array<i32>} : memref<4x128xf32, #tpu.memory_space<vmem>>, vector<1x16xf32>,
    %get3A_425 = vector.shape_cast %get3A_424 : vector<1x16xf32> to vector<16xf32>
    %add3A_426 = arith.addf %get3A_420, %get3A_425 : vector<16xf32>
    %swap3A_427 = arith.constant 0 : i32
    %swap3A_428 = arith.index_cast %swap3A_427 : i32 to index
    %swap3A_429 = arith.constant 80 : index
    %swap3A_430 = tpu.vector_load %arg16[%swap3A_428, %swap3A_429] {strides = array<i32>} : memref<4x128xf32, #tpu.memory_space<vmem>>, vector<1x16xf32>,
    %swap3A_431 = vector.shape_cast %swap3A_430 : vector<1x16xf32> to vector<16xf32>
    %swap3A_432 = vector.shape_cast %add3A_426 : vector<16xf32> to vector<1x16xf32>
    tpu.vector_store %arg16[%swap3A_428, %swap3A_429], %swap3A_432 {strides = array<i32>} : memref<4x128xf32, #tpu.memory_space<vmem>>, vector<1x16xf32>,
    %get3A_433 = arith.constant 0 : i32
    %get3A_434 = arith.index_cast %get3A_433 : i32 to index
    %get3A_435 = arith.constant 96 : index
    %get3A_436 = tpu.vector_load %arg14[%get3A_434, %get3A_435] {strides = array<i32>} : memref<4x128xf32, #tpu.memory_space<vmem>>, vector<1x16xf32>,
    %get3A_437 = vector.shape_cast %get3A_436 : vector<1x16xf32> to vector<16xf32>
    %get3A_438 = arith.constant 0 : i32
    %get3A_439 = arith.index_cast %get3A_438 : i32 to index
    %get3A_440 = arith.constant 96 : index
    %get3A_441 = tpu.vector_load %arg15[%get3A_439, %get3A_440] {strides = array<i32>} : memref<4x128xf32, #tpu.memory_space<vmem>>, vector<1x16xf32>,
    %get3A_442 = vector.shape_cast %get3A_441 : vector<1x16xf32> to vector<16xf32>
    %add3A_443 = arith.addf %get3A_437, %get3A_442 : vector<16xf32>
    %swap3A_444 = arith.constant 0 : i32
    %swap3A_445 = arith.index_cast %swap3A_444 : i32 to index
    %swap3A_446 = arith.constant 96 : index
    %swap3A_447 = tpu.vector_load %arg16[%swap3A_445, %swap3A_446] {strides = array<i32>} : memref<4x128xf32, #tpu.memory_space<vmem>>, vector<1x16xf32>,
    %swap3A_448 = vector.shape_cast %swap3A_447 : vector<1x16xf32> to vector<16xf32>
    %swap3A_449 = vector.shape_cast %add3A_443 : vector<16xf32> to vector<1x16xf32>
    tpu.vector_store %arg16[%swap3A_445, %swap3A_446], %swap3A_449 {strides = array<i32>} : memref<4x128xf32, #tpu.memory_space<vmem>>, vector<1x16xf32>,
    %get3A_450 = arith.constant 0 : i32
    %get3A_451 = arith.index_cast %get3A_450 : i32 to index
    %get3A_452 = arith.constant 112 : index
    %get3A_453 = tpu.vector_load %arg14[%get3A_451, %get3A_452] {strides = array<i32>} : memref<4x128xf32, #tpu.memory_space<vmem>>, vector<1x16xf32>,
    %get3A_454 = vector.shape_cast %get3A_453 : vector<1x16xf32> to vector<16xf32>
    %get3A_455 = arith.constant 0 : i32
    %get3A_456 = arith.index_cast %get3A_455 : i32 to index
    %get3A_457 = arith.constant 112 : index
    %get3A_458 = tpu.vector_load %arg15[%get3A_456, %get3A_457] {strides = array<i32>} : memref<4x128xf32, #tpu.memory_space<vmem>>, vector<1x16xf32>,
    %get3A_459 = vector.shape_cast %get3A_458 : vector<1x16xf32> to vector<16xf32>
    %add3A_460 = arith.addf %get3A_454, %get3A_459 : vector<16xf32>
    %swap3A_461 = arith.constant 0 : i32
    %swap3A_462 = arith.index_cast %swap3A_461 : i32 to index
    %swap3A_463 = arith.constant 112 : index
    %swap3A_464 = tpu.vector_load %arg16[%swap3A_462, %swap3A_463] {strides = array<i32>} : memref<4x128xf32, #tpu.memory_space<vmem>>, vector<1x16xf32>,
    %swap3A_465 = vector.shape_cast %swap3A_464 : vector<1x16xf32> to vector<16xf32>
    %swap3A_466 = vector.shape_cast %add3A_460 : vector<16xf32> to vector<1x16xf32>
    tpu.vector_store %arg16[%swap3A_462, %swap3A_463], %swap3A_466 {strides = array<i32>} : memref<4x128xf32, #tpu.memory_space<vmem>>, vector<1x16xf32>,
    %get3A_467 = arith.constant 1 : i32
    %get3A_468 = arith.index_cast %get3A_467 : i32 to index
    %get3A_469 = arith.constant 0 : index
    %get3A_470 = tpu.vector_load %arg14[%get3A_468, %get3A_469] {strides = array<i32>} : memref<4x128xf32, #tpu.memory_space<vmem>>, vector<1x16xf32>,
    %get3A_471 = vector.shape_cast %get3A_470 : vector<1x16xf32> to vector<16xf32>
    %get3A_472 = arith.constant 1 : i32
    %get3A_473 = arith.index_cast %get3A_472 : i32 to index
    %get3A_474 = arith.constant 0 : index
    %get3A_475 = tpu.vector_load %arg15[%get3A_473, %get3A_474] {strides = array<i32>} : memref<4x128xf32, #tpu.memory_space<vmem>>, vector<1x16xf32>,
    %get3A_476 = vector.shape_cast %get3A_475 : vector<1x16xf32> to vector<16xf32>
    %add3A_477 = arith.addf %get3A_471, %get3A_476 : vector<16xf32>
    %swap3A_478 = arith.constant 1 : i32
    %swap3A_479 = arith.index_cast %swap3A_478 : i32 to index
    %swap3A_480 = arith.constant 0 : index
    %swap3A_481 = tpu.vector_load %arg16[%swap3A_479, %swap3A_480] {strides = array<i32>} : memref<4x128xf32, #tpu.memory_space<vmem>>, vector<1x16xf32>,
    %swap3A_482 = vector.shape_cast %swap3A_481 : vector<1x16xf32> to vector<16xf32>
    %swap3A_483 = vector.shape_cast %add3A_477 : vector<16xf32> to vector<1x16xf32>
    tpu.vector_store %arg16[%swap3A_479, %swap3A_480], %swap3A_483 {strides = array<i32>} : memref<4x128xf32, #tpu.memory_space<vmem>>, vector<1x16xf32>,
    %get3A_484 = arith.constant 1 : i32
    %get3A_485 = arith.index_cast %get3A_484 : i32 to index
    %get3A_486 = arith.constant 16 : index
    %get3A_487 = tpu.vector_load %arg14[%get3A_485, %get3A_486] {strides = array<i32>} : memref<4x128xf32, #tpu.memory_space<vmem>>, vector<1x16xf32>,
    %get3A_488 = vector.shape_cast %get3A_487 : vector<1x16xf32> to vector<16xf32>
    %get3A_489 = arith.constant 1 : i32
    %get3A_490 = arith.index_cast %get3A_489 : i32 to index
    %get3A_491 = arith.constant 16 : index
    %get3A_492 = tpu.vector_load %arg15[%get3A_490, %get3A_491] {strides = array<i32>} : memref<4x128xf32, #tpu.memory_space<vmem>>, vector<1x16xf32>,
    %get3A_493 = vector.shape_cast %get3A_492 : vector<1x16xf32> to vector<16xf32>
    %add3A_494 = arith.addf %get3A_488, %get3A_493 : vector<16xf32>
    %swap3A_495 = arith.constant 1 : i32
    %swap3A_496 = arith.index_cast %swap3A_495 : i32 to index
    %swap3A_497 = arith.constant 16 : index
    %swap3A_498 = tpu.vector_load %arg16[%swap3A_496, %swap3A_497] {strides = array<i32>} : memref<4x128xf32, #tpu.memory_space<vmem>>, vector<1x16xf32>,
    %swap3A_499 = vector.shape_cast %swap3A_498 : vector<1x16xf32> to vector<16xf32>
    %swap3A_500 = vector.shape_cast %add3A_494 : vector<16xf32> to vector<1x16xf32>
    tpu.vector_store %arg16[%swap3A_496, %swap3A_497], %swap3A_500 {strides = array<i32>} : memref<4x128xf32, #tpu.memory_space<vmem>>, vector<1x16xf32>,
    %get3A_501 = arith.constant 1 : i32
    %get3A_502 = arith.index_cast %get3A_501 : i32 to index
    %get3A_503 = arith.constant 32 : index
    %get3A_504 = tpu.vector_load %arg14[%get3A_502, %get3A_503] {strides = array<i32>} : memref<4x128xf32, #tpu.memory_space<vmem>>, vector<1x16xf32>,
    %get3A_505 = vector.shape_cast %get3A_504 : vector<1x16xf32> to vector<16xf32>
    %get3A_506 = arith.constant 1 : i32
    %get3A_507 = arith.index_cast %get3A_506 : i32 to index
    %get3A_508 = arith.constant 32 : index
    %get3A_509 = tpu.vector_load %arg15[%get3A_507, %get3A_508] {strides = array<i32>} : memref<4x128xf32, #tpu.memory_space<vmem>>, vector<1x16xf32>,
    %get3A_510 = vector.shape_cast %get3A_509 : vector<1x16xf32> to vector<16xf32>
    %add3A_511 = arith.addf %get3A_505, %get3A_510 : vector<16xf32>
    %swap3A_512 = arith.constant 1 : i32
    %swap3A_513 = arith.index_cast %swap3A_512 : i32 to index
    %swap3A_514 = arith.constant 32 : index
    %swap3A_515 = tpu.vector_load %arg16[%swap3A_513, %swap3A_514] {strides = array<i32>} : memref<4x128xf32, #tpu.memory_space<vmem>>, vector<1x16xf32>,
    %swap3A_516 = vector.shape_cast %swap3A_515 : vector<1x16xf32> to vector<16xf32>
    %swap3A_517 = vector.shape_cast %add3A_511 : vector<16xf32> to vector<1x16xf32>
    tpu.vector_store %arg16[%swap3A_513, %swap3A_514], %swap3A_517 {strides = array<i32>} : memref<4x128xf32, #tpu.memory_space<vmem>>, vector<1x16xf32>,
    %get3A_518 = arith.constant 1 : i32
    %get3A_519 = arith.index_cast %get3A_518 : i32 to index
    %get3A_520 = arith.constant 48 : index
    %get3A_521 = tpu.vector_load %arg14[%get3A_519, %get3A_520] {strides = array<i32>} : memref<4x128xf32, #tpu.memory_space<vmem>>, vector<1x16xf32>,
    %get3A_522 = vector.shape_cast %get3A_521 : vector<1x16xf32> to vector<16xf32>
    %get3A_523 = arith.constant 1 : i32
    %get3A_524 = arith.index_cast %get3A_523 : i32 to index
    %get3A_525 = arith.constant 48 : index
    %get3A_526 = tpu.vector_load %arg15[%get3A_524, %get3A_525] {strides = array<i32>} : memref<4x128xf32, #tpu.memory_space<vmem>>, vector<1x16xf32>,
    %get3A_527 = vector.shape_cast %get3A_526 : vector<1x16xf32> to vector<16xf32>
    %add3A_528 = arith.addf %get3A_522, %get3A_527 : vector<16xf32>
    %swap3A_529 = arith.constant 1 : i32
    %swap3A_530 = arith.index_cast %swap3A_529 : i32 to index
    %swap3A_531 = arith.constant 48 : index
    %swap3A_532 = tpu.vector_load %arg16[%swap3A_530, %swap3A_531] {strides = array<i32>} : memref<4x128xf32, #tpu.memory_space<vmem>>, vector<1x16xf32>,
    %swap3A_533 = vector.shape_cast %swap3A_532 : vector<1x16xf32> to vector<16xf32>
    %swap3A_534 = vector.shape_cast %add3A_528 : vector<16xf32> to vector<1x16xf32>
    tpu.vector_store %arg16[%swap3A_530, %swap3A_531], %swap3A_534 {strides = array<i32>} : memref<4x128xf32, #tpu.memory_space<vmem>>, vector<1x16xf32>,
    %get3A_535 = arith.constant 1 : i32
    %get3A_536 = arith.index_cast %get3A_535 : i32 to index
    %get3A_537 = arith.constant 64 : index
    %get3A_538 = tpu.vector_load %arg14[%get3A_536, %get3A_537] {strides = array<i32>} : memref<4x128xf32, #tpu.memory_space<vmem>>, vector<1x16xf32>,
    %get3A_539 = vector.shape_cast %get3A_538 : vector<1x16xf32> to vector<16xf32>
    %get3A_540 = arith.constant 1 : i32
    %get3A_541 = arith.index_cast %get3A_540 : i32 to index
    %get3A_542 = arith.constant 64 : index
    %get3A_543 = tpu.vector_load %arg15[%get3A_541, %get3A_542] {strides = array<i32>} : memref<4x128xf32, #tpu.memory_space<vmem>>, vector<1x16xf32>,
    %get3A_544 = vector.shape_cast %get3A_543 : vector<1x16xf32> to vector<16xf32>
    %add3A_545 = arith.addf %get3A_539, %get3A_544 : vector<16xf32>
    %swap3A_546 = arith.constant 1 : i32
    %swap3A_547 = arith.index_cast %swap3A_546 : i32 to index
    %swap3A_548 = arith.constant 64 : index
    %swap3A_549 = tpu.vector_load %arg16[%swap3A_547, %swap3A_548] {strides = array<i32>} : memref<4x128xf32, #tpu.memory_space<vmem>>, vector<1x16xf32>,
    %swap3A_550 = vector.shape_cast %swap3A_549 : vector<1x16xf32> to vector<16xf32>
    %swap3A_551 = vector.shape_cast %add3A_545 : vector<16xf32> to vector<1x16xf32>
    tpu.vector_store %arg16[%swap3A_547, %swap3A_548], %swap3A_551 {strides = array<i32>} : memref<4x128xf32, #tpu.memory_space<vmem>>, vector<1x16xf32>,
    %get3A_552 = arith.constant 1 : i32
    %get3A_553 = arith.index_cast %get3A_552 : i32 to index
    %get3A_554 = arith.constant 80 : index
    %get3A_555 = tpu.vector_load %arg14[%get3A_553, %get3A_554] {strides = array<i32>} : memref<4x128xf32, #tpu.memory_space<vmem>>, vector<1x16xf32>,
    %get3A_556 = vector.shape_cast %get3A_555 : vector<1x16xf32> to vector<16xf32>
    %get3A_557 = arith.constant 1 : i32
    %get3A_558 = arith.index_cast %get3A_557 : i32 to index
    %get3A_559 = arith.constant 80 : index
    %get3A_560 = tpu.vector_load %arg15[%get3A_558, %get3A_559] {strides = array<i32>} : memref<4x128xf32, #tpu.memory_space<vmem>>, vector<1x16xf32>,
    %get3A_561 = vector.shape_cast %get3A_560 : vector<1x16xf32> to vector<16xf32>
    %add3A_562 = arith.addf %get3A_556, %get3A_561 : vector<16xf32>
    %swap3A_563 = arith.constant 1 : i32
    %swap3A_564 = arith.index_cast %swap3A_563 : i32 to index
    %swap3A_565 = arith.constant 80 : index
    %swap3A_566 = tpu.vector_load %arg16[%swap3A_564, %swap3A_565] {strides = array<i32>} : memref<4x128xf32, #tpu.memory_space<vmem>>, vector<1x16xf32>,
    %swap3A_567 = vector.shape_cast %swap3A_566 : vector<1x16xf32> to vector<16xf32>
    %swap3A_568 = vector.shape_cast %add3A_562 : vector<16xf32> to vector<1x16xf32>
    tpu.vector_store %arg16[%swap3A_564, %swap3A_565], %swap3A_568 {strides = array<i32>} : memref<4x128xf32, #tpu.memory_space<vmem>>, vector<1x16xf32>,
    %get3A_569 = arith.constant 1 : i32
    %get3A_570 = arith.index_cast %get3A_569 : i32 to index
    %get3A_571 = arith.constant 96 : index
    %get3A_572 = tpu.vector_load %arg14[%get3A_570, %get3A_571] {strides = array<i32>} : memref<4x128xf32, #tpu.memory_space<vmem>>, vector<1x16xf32>,
    %get3A_573 = vector.shape_cast %get3A_572 : vector<1x16xf32> to vector<16xf32>
    %get3A_574 = arith.constant 1 : i32
    %get3A_575 = arith.index_cast %get3A_574 : i32 to index
    %get3A_576 = arith.constant 96 : index
    %get3A_577 = tpu.vector_load %arg15[%get3A_575, %get3A_576] {strides = array<i32>} : memref<4x128xf32, #tpu.memory_space<vmem>>, vector<1x16xf32>,
    %get3A_578 = vector.shape_cast %get3A_577 : vector<1x16xf32> to vector<16xf32>
    %add3A_579 = arith.addf %get3A_573, %get3A_578 : vector<16xf32>
    %swap3A_580 = arith.constant 1 : i32
    %swap3A_581 = arith.index_cast %swap3A_580 : i32 to index
    %swap3A_582 = arith.constant 96 : index
    %swap3A_583 = tpu.vector_load %arg16[%swap3A_581, %swap3A_582] {strides = array<i32>} : memref<4x128xf32, #tpu.memory_space<vmem>>, vector<1x16xf32>,
    %swap3A_584 = vector.shape_cast %swap3A_583 : vector<1x16xf32> to vector<16xf32>
    %swap3A_585 = vector.shape_cast %add3A_579 : vector<16xf32> to vector<1x16xf32>
    tpu.vector_store %arg16[%swap3A_581, %swap3A_582], %swap3A_585 {strides = array<i32>} : memref<4x128xf32, #tpu.memory_space<vmem>>, vector<1x16xf32>,
    %get3A_586 = arith.constant 1 : i32
    %get3A_587 = arith.index_cast %get3A_586 : i32 to index
    %get3A_588 = arith.constant 112 : index
    %get3A_589 = tpu.vector_load %arg14[%get3A_587, %get3A_588] {strides = array<i32>} : memref<4x128xf32, #tpu.memory_space<vmem>>, vector<1x16xf32>,
    %get3A_590 = vector.shape_cast %get3A_589 : vector<1x16xf32> to vector<16xf32>
    %get3A_591 = arith.constant 1 : i32
    %get3A_592 = arith.index_cast %get3A_591 : i32 to index
    %get3A_593 = arith.constant 112 : index
    %get3A_594 = tpu.vector_load %arg15[%get3A_592, %get3A_593] {strides = array<i32>} : memref<4x128xf32, #tpu.memory_space<vmem>>, vector<1x16xf32>,
    %get3A_595 = vector.shape_cast %get3A_594 : vector<1x16xf32> to vector<16xf32>
    %add3A_596 = arith.addf %get3A_590, %get3A_595 : vector<16xf32>
    %swap3A_597 = arith.constant 1 : i32
    %swap3A_598 = arith.index_cast %swap3A_597 : i32 to index
    %swap3A_599 = arith.constant 112 : index
    %swap3A_600 = tpu.vector_load %arg16[%swap3A_598, %swap3A_599] {strides = array<i32>} : memref<4x128xf32, #tpu.memory_space<vmem>>, vector<1x16xf32>,
    %swap3A_601 = vector.shape_cast %swap3A_600 : vector<1x16xf32> to vector<16xf32>
    %swap3A_602 = vector.shape_cast %add3A_596 : vector<16xf32> to vector<1x16xf32>
    tpu.vector_store %arg16[%swap3A_598, %swap3A_599], %swap3A_602 {strides = array<i32>} : memref<4x128xf32, #tpu.memory_space<vmem>>, vector<1x16xf32>,
    %get3A_603 = arith.constant 2 : i32
    %get3A_604 = arith.index_cast %get3A_603 : i32 to index
    %get3A_605 = arith.constant 0 : index
    %get3A_606 = tpu.vector_load %arg14[%get3A_604, %get3A_605] {strides = array<i32>} : memref<4x128xf32, #tpu.memory_space<vmem>>, vector<1x16xf32>,
    %get3A_607 = vector.shape_cast %get3A_606 : vector<1x16xf32> to vector<16xf32>
    %get3A_608 = arith.constant 2 : i32
    %get3A_609 = arith.index_cast %get3A_608 : i32 to index
    %get3A_610 = arith.constant 0 : index
    %get3A_611 = tpu.vector_load %arg15[%get3A_609, %get3A_610] {strides = array<i32>} : memref<4x128xf32, #tpu.memory_space<vmem>>, vector<1x16xf32>,
    %get3A_612 = vector.shape_cast %get3A_611 : vector<1x16xf32> to vector<16xf32>
    %add3A_613 = arith.addf %get3A_607, %get3A_612 : vector<16xf32>
    %swap3A_614 = arith.constant 2 : i32
    %swap3A_615 = arith.index_cast %swap3A_614 : i32 to index
    %swap3A_616 = arith.constant 0 : index
    %swap3A_617 = tpu.vector_load %arg16[%swap3A_615, %swap3A_616] {strides = array<i32>} : memref<4x128xf32, #tpu.memory_space<vmem>>, vector<1x16xf32>,
    %swap3A_618 = vector.shape_cast %swap3A_617 : vector<1x16xf32> to vector<16xf32>
    %swap3A_619 = vector.shape_cast %add3A_613 : vector<16xf32> to vector<1x16xf32>
    tpu.vector_store %arg16[%swap3A_615, %swap3A_616], %swap3A_619 {strides = array<i32>} : memref<4x128xf32, #tpu.memory_space<vmem>>, vector<1x16xf32>,
    %get3A_620 = arith.constant 2 : i32
    %get3A_621 = arith.index_cast %get3A_620 : i32 to index
    %get3A_622 = arith.constant 16 : index
    %get3A_623 = tpu.vector_load %arg14[%get3A_621, %get3A_622] {strides = array<i32>} : memref<4x128xf32, #tpu.memory_space<vmem>>, vector<1x16xf32>,
    %get3A_624 = vector.shape_cast %get3A_623 : vector<1x16xf32> to vector<16xf32>
    %get3A_625 = arith.constant 2 : i32
    %get3A_626 = arith.index_cast %get3A_625 : i32 to index
    %get3A_627 = arith.constant 16 : index
    %get3A_628 = tpu.vector_load %arg15[%get3A_626, %get3A_627] {strides = array<i32>} : memref<4x128xf32, #tpu.memory_space<vmem>>, vector<1x16xf32>,
    %get3A_629 = vector.shape_cast %get3A_628 : vector<1x16xf32> to vector<16xf32>
    %add3A_630 = arith.addf %get3A_624, %get3A_629 : vector<16xf32>
    %swap3A_631 = arith.constant 2 : i32
    %swap3A_632 = arith.index_cast %swap3A_631 : i32 to index
    %swap3A_633 = arith.constant 16 : index
    %swap3A_634 = tpu.vector_load %arg16[%swap3A_632, %swap3A_633] {strides = array<i32>} : memref<4x128xf32, #tpu.memory_space<vmem>>, vector<1x16xf32>,
    %swap3A_635 = vector.shape_cast %swap3A_634 : vector<1x16xf32> to vector<16xf32>
    %swap3A_636 = vector.shape_cast %add3A_630 : vector<16xf32> to vector<1x16xf32>
    tpu.vector_store %arg16[%swap3A_632, %swap3A_633], %swap3A_636 {strides = array<i32>} : memref<4x128xf32, #tpu.memory_space<vmem>>, vector<1x16xf32>,
    %get3A_637 = arith.constant 2 : i32
    %get3A_638 = arith.index_cast %get3A_637 : i32 to index
    %get3A_639 = arith.constant 32 : index
    %get3A_640 = tpu.vector_load %arg14[%get3A_638, %get3A_639] {strides = array<i32>} : memref<4x128xf32, #tpu.memory_space<vmem>>, vector<1x16xf32>,
    %get3A_641 = vector.shape_cast %get3A_640 : vector<1x16xf32> to vector<16xf32>
    %get3A_642 = arith.constant 2 : i32
    %get3A_643 = arith.index_cast %get3A_642 : i32 to index
    %get3A_644 = arith.constant 32 : index
    %get3A_645 = tpu.vector_load %arg15[%get3A_643, %get3A_644] {strides = array<i32>} : memref<4x128xf32, #tpu.memory_space<vmem>>, vector<1x16xf32>,
    %get3A_646 = vector.shape_cast %get3A_645 : vector<1x16xf32> to vector<16xf32>
    %add3A_647 = arith.addf %get3A_641, %get3A_646 : vector<16xf32>
    %swap3A_648 = arith.constant 2 : i32
    %swap3A_649 = arith.index_cast %swap3A_648 : i32 to index
    %swap3A_650 = arith.constant 32 : index
    %swap3A_651 = tpu.vector_load %arg16[%swap3A_649, %swap3A_650] {strides = array<i32>} : memref<4x128xf32, #tpu.memory_space<vmem>>, vector<1x16xf32>,
    %swap3A_652 = vector.shape_cast %swap3A_651 : vector<1x16xf32> to vector<16xf32>
    %swap3A_653 = vector.shape_cast %add3A_647 : vector<16xf32> to vector<1x16xf32>
    tpu.vector_store %arg16[%swap3A_649, %swap3A_650], %swap3A_653 {strides = array<i32>} : memref<4x128xf32, #tpu.memory_space<vmem>>, vector<1x16xf32>,
    %get3A_654 = arith.constant 2 : i32
    %get3A_655 = arith.index_cast %get3A_654 : i32 to index
    %get3A_656 = arith.constant 48 : index
    %get3A_657 = tpu.vector_load %arg14[%get3A_655, %get3A_656] {strides = array<i32>} : memref<4x128xf32, #tpu.memory_space<vmem>>, vector<1x16xf32>,
    %get3A_658 = vector.shape_cast %get3A_657 : vector<1x16xf32> to vector<16xf32>
    %get3A_659 = arith.constant 2 : i32
    %get3A_660 = arith.index_cast %get3A_659 : i32 to index
    %get3A_661 = arith.constant 48 : index
    %get3A_662 = tpu.vector_load %arg15[%get3A_660, %get3A_661] {strides = array<i32>} : memref<4x128xf32, #tpu.memory_space<vmem>>, vector<1x16xf32>,
    %get3A_663 = vector.shape_cast %get3A_662 : vector<1x16xf32> to vector<16xf32>
    %add3A_664 = arith.addf %get3A_658, %get3A_663 : vector<16xf32>
    %swap3A_665 = arith.constant 2 : i32
    %swap3A_666 = arith.index_cast %swap3A_665 : i32 to index
    %swap3A_667 = arith.constant 48 : index
    %swap3A_668 = tpu.vector_load %arg16[%swap3A_666, %swap3A_667] {strides = array<i32>} : memref<4x128xf32, #tpu.memory_space<vmem>>, vector<1x16xf32>,
    %swap3A_669 = vector.shape_cast %swap3A_668 : vector<1x16xf32> to vector<16xf32>
    %swap3A_670 = vector.shape_cast %add3A_664 : vector<16xf32> to vector<1x16xf32>
    tpu.vector_store %arg16[%swap3A_666, %swap3A_667], %swap3A_670 {strides = array<i32>} : memref<4x128xf32, #tpu.memory_space<vmem>>, vector<1x16xf32>,
    %get3A_671 = arith.constant 2 : i32
    %get3A_672 = arith.index_cast %get3A_671 : i32 to index
    %get3A_673 = arith.constant 64 : index
    %get3A_674 = tpu.vector_load %arg14[%get3A_672, %get3A_673] {strides = array<i32>} : memref<4x128xf32, #tpu.memory_space<vmem>>, vector<1x16xf32>,
    %get3A_675 = vector.shape_cast %get3A_674 : vector<1x16xf32> to vector<16xf32>
    %get3A_676 = arith.constant 2 : i32
    %get3A_677 = arith.index_cast %get3A_676 : i32 to index
    %get3A_678 = arith.constant 64 : index
    %get3A_679 = tpu.vector_load %arg15[%get3A_677, %get3A_678] {strides = array<i32>} : memref<4x128xf32, #tpu.memory_space<vmem>>, vector<1x16xf32>,
    %get3A_680 = vector.shape_cast %get3A_679 : vector<1x16xf32> to vector<16xf32>
    %add3A_681 = arith.addf %get3A_675, %get3A_680 : vector<16xf32>
    %swap3A_682 = arith.constant 2 : i32
    %swap3A_683 = arith.index_cast %swap3A_682 : i32 to index
    %swap3A_684 = arith.constant 64 : index
    %swap3A_685 = tpu.vector_load %arg16[%swap3A_683, %swap3A_684] {strides = array<i32>} : memref<4x128xf32, #tpu.memory_space<vmem>>, vector<1x16xf32>,
    %swap3A_686 = vector.shape_cast %swap3A_685 : vector<1x16xf32> to vector<16xf32>
    %swap3A_687 = vector.shape_cast %add3A_681 : vector<16xf32> to vector<1x16xf32>
    tpu.vector_store %arg16[%swap3A_683, %swap3A_684], %swap3A_687 {strides = array<i32>} : memref<4x128xf32, #tpu.memory_space<vmem>>, vector<1x16xf32>,
    %get3A_688 = arith.constant 2 : i32
    %get3A_689 = arith.index_cast %get3A_688 : i32 to index
    %get3A_690 = arith.constant 80 : index
    %get3A_691 = tpu.vector_load %arg14[%get3A_689, %get3A_690] {strides = array<i32>} : memref<4x128xf32, #tpu.memory_space<vmem>>, vector<1x16xf32>,
    %get3A_692 = vector.shape_cast %get3A_691 : vector<1x16xf32> to vector<16xf32>
    %get3A_693 = arith.constant 2 : i32
    %get3A_694 = arith.index_cast %get3A_693 : i32 to index
    %get3A_695 = arith.constant 80 : index
    %get3A_696 = tpu.vector_load %arg15[%get3A_694, %get3A_695] {strides = array<i32>} : memref<4x128xf32, #tpu.memory_space<vmem>>, vector<1x16xf32>,
    %get3A_697 = vector.shape_cast %get3A_696 : vector<1x16xf32> to vector<16xf32>
    %add3A_698 = arith.addf %get3A_692, %get3A_697 : vector<16xf32>
    %swap3A_699 = arith.constant 2 : i32
    %swap3A_700 = arith.index_cast %swap3A_699 : i32 to index
    %swap3A_701 = arith.constant 80 : index
    %swap3A_702 = tpu.vector_load %arg16[%swap3A_700, %swap3A_701] {strides = array<i32>} : memref<4x128xf32, #tpu.memory_space<vmem>>, vector<1x16xf32>,
    %swap3A_703 = vector.shape_cast %swap3A_702 : vector<1x16xf32> to vector<16xf32>
    %swap3A_704 = vector.shape_cast %add3A_698 : vector<16xf32> to vector<1x16xf32>
    tpu.vector_store %arg16[%swap3A_700, %swap3A_701], %swap3A_704 {strides = array<i32>} : memref<4x128xf32, #tpu.memory_space<vmem>>, vector<1x16xf32>,
    %get3A_705 = arith.constant 2 : i32
    %get3A_706 = arith.index_cast %get3A_705 : i32 to index
    %get3A_707 = arith.constant 96 : index
    %get3A_708 = tpu.vector_load %arg14[%get3A_706, %get3A_707] {strides = array<i32>} : memref<4x128xf32, #tpu.memory_space<vmem>>, vector<1x16xf32>,
    %get3A_709 = vector.shape_cast %get3A_708 : vector<1x16xf32> to vector<16xf32>
    %get3A_710 = arith.constant 2 : i32
    %get3A_711 = arith.index_cast %get3A_710 : i32 to index
    %get3A_712 = arith.constant 96 : index
    %get3A_713 = tpu.vector_load %arg15[%get3A_711, %get3A_712] {strides = array<i32>} : memref<4x128xf32, #tpu.memory_space<vmem>>, vector<1x16xf32>,
    %get3A_714 = vector.shape_cast %get3A_713 : vector<1x16xf32> to vector<16xf32>
    %add3A_715 = arith.addf %get3A_709, %get3A_714 : vector<16xf32>
    %swap3A_716 = arith.constant 2 : i32
    %swap3A_717 = arith.index_cast %swap3A_716 : i32 to index
    %swap3A_718 = arith.constant 96 : index
    %swap3A_719 = tpu.vector_load %arg16[%swap3A_717, %swap3A_718] {strides = array<i32>} : memref<4x128xf32, #tpu.memory_space<vmem>>, vector<1x16xf32>,
    %swap3A_720 = vector.shape_cast %swap3A_719 : vector<1x16xf32> to vector<16xf32>
    %swap3A_721 = vector.shape_cast %add3A_715 : vector<16xf32> to vector<1x16xf32>
    tpu.vector_store %arg16[%swap3A_717, %swap3A_718], %swap3A_721 {strides = array<i32>} : memref<4x128xf32, #tpu.memory_space<vmem>>, vector<1x16xf32>,
    %get3A_722 = arith.constant 2 : i32
    %get3A_723 = arith.index_cast %get3A_722 : i32 to index
    %get3A_724 = arith.constant 112 : index
    %get3A_725 = tpu.vector_load %arg14[%get3A_723, %get3A_724] {strides = array<i32>} : memref<4x128xf32, #tpu.memory_space<vmem>>, vector<1x16xf32>,
    %get3A_726 = vector.shape_cast %get3A_725 : vector<1x16xf32> to vector<16xf32>
    %get3A_727 = arith.constant 2 : i32
    %get3A_728 = arith.index_cast %get3A_727 : i32 to index
    %get3A_729 = arith.constant 112 : index
    %get3A_730 = tpu.vector_load %arg15[%get3A_728, %get3A_729] {strides = array<i32>} : memref<4x128xf32, #tpu.memory_space<vmem>>, vector<1x16xf32>,
    %get3A_731 = vector.shape_cast %get3A_730 : vector<1x16xf32> to vector<16xf32>
    %add3A_732 = arith.addf %get3A_726, %get3A_731 : vector<16xf32>
    %swap3A_733 = arith.constant 2 : i32
    %swap3A_734 = arith.index_cast %swap3A_733 : i32 to index
    %swap3A_735 = arith.constant 112 : index
    %swap3A_736 = tpu.vector_load %arg16[%swap3A_734, %swap3A_735] {strides = array<i32>} : memref<4x128xf32, #tpu.memory_space<vmem>>, vector<1x16xf32>,
    %swap3A_737 = vector.shape_cast %swap3A_736 : vector<1x16xf32> to vector<16xf32>
    %swap3A_738 = vector.shape_cast %add3A_732 : vector<16xf32> to vector<1x16xf32>
    tpu.vector_store %arg16[%swap3A_734, %swap3A_735], %swap3A_738 {strides = array<i32>} : memref<4x128xf32, #tpu.memory_space<vmem>>, vector<1x16xf32>,
    %get3A_739 = arith.constant 3 : i32
    %get3A_740 = arith.index_cast %get3A_739 : i32 to index
    %get3A_741 = arith.constant 0 : index
    %get3A_742 = tpu.vector_load %arg14[%get3A_740, %get3A_741] {strides = array<i32>} : memref<4x128xf32, #tpu.memory_space<vmem>>, vector<1x16xf32>,
    %get3A_743 = vector.shape_cast %get3A_742 : vector<1x16xf32> to vector<16xf32>
    %get3A_744 = arith.constant 3 : i32
    %get3A_745 = arith.index_cast %get3A_744 : i32 to index
    %get3A_746 = arith.constant 0 : index
    %get3A_747 = tpu.vector_load %arg15[%get3A_745, %get3A_746] {strides = array<i32>} : memref<4x128xf32, #tpu.memory_space<vmem>>, vector<1x16xf32>,
    %get3A_748 = vector.shape_cast %get3A_747 : vector<1x16xf32> to vector<16xf32>
    %add3A_749 = arith.addf %get3A_743, %get3A_748 : vector<16xf32>
    %swap3A_750 = arith.constant 3 : i32
    %swap3A_751 = arith.index_cast %swap3A_750 : i32 to index
    %swap3A_752 = arith.constant 0 : index
    %swap3A_753 = tpu.vector_load %arg16[%swap3A_751, %swap3A_752] {strides = array<i32>} : memref<4x128xf32, #tpu.memory_space<vmem>>, vector<1x16xf32>,
    %swap3A_754 = vector.shape_cast %swap3A_753 : vector<1x16xf32> to vector<16xf32>
    %swap3A_755 = vector.shape_cast %add3A_749 : vector<16xf32> to vector<1x16xf32>
    tpu.vector_store %arg16[%swap3A_751, %swap3A_752], %swap3A_755 {strides = array<i32>} : memref<4x128xf32, #tpu.memory_space<vmem>>, vector<1x16xf32>,
    %get3A_756 = arith.constant 3 : i32
    %get3A_757 = arith.index_cast %get3A_756 : i32 to index
    %get3A_758 = arith.constant 16 : index
    %get3A_759 = tpu.vector_load %arg14[%get3A_757, %get3A_758] {strides = array<i32>} : memref<4x128xf32, #tpu.memory_space<vmem>>, vector<1x16xf32>,
    %get3A_760 = vector.shape_cast %get3A_759 : vector<1x16xf32> to vector<16xf32>
    %get3A_761 = arith.constant 3 : i32
    %get3A_762 = arith.index_cast %get3A_761 : i32 to index
    %get3A_763 = arith.constant 16 : index
    %get3A_764 = tpu.vector_load %arg15[%get3A_762, %get3A_763] {strides = array<i32>} : memref<4x128xf32, #tpu.memory_space<vmem>>, vector<1x16xf32>,
    %get3A_765 = vector.shape_cast %get3A_764 : vector<1x16xf32> to vector<16xf32>
    %add3A_766 = arith.addf %get3A_760, %get3A_765 : vector<16xf32>
    %swap3A_767 = arith.constant 3 : i32
    %swap3A_768 = arith.index_cast %swap3A_767 : i32 to index
    %swap3A_769 = arith.constant 16 : index
    %swap3A_770 = tpu.vector_load %arg16[%swap3A_768, %swap3A_769] {strides = array<i32>} : memref<4x128xf32, #tpu.memory_space<vmem>>, vector<1x16xf32>,
    %swap3A_771 = vector.shape_cast %swap3A_770 : vector<1x16xf32> to vector<16xf32>
    %swap3A_772 = vector.shape_cast %add3A_766 : vector<16xf32> to vector<1x16xf32>
    tpu.vector_store %arg16[%swap3A_768, %swap3A_769], %swap3A_772 {strides = array<i32>} : memref<4x128xf32, #tpu.memory_space<vmem>>, vector<1x16xf32>,
    %get3A_773 = arith.constant 3 : i32
    %get3A_774 = arith.index_cast %get3A_773 : i32 to index
    %get3A_775 = arith.constant 32 : index
    %get3A_776 = tpu.vector_load %arg14[%get3A_774, %get3A_775] {strides = array<i32>} : memref<4x128xf32, #tpu.memory_space<vmem>>, vector<1x16xf32>,
    %get3A_777 = vector.shape_cast %get3A_776 : vector<1x16xf32> to vector<16xf32>
    %get3A_778 = arith.constant 3 : i32
    %get3A_779 = arith.index_cast %get3A_778 : i32 to index
    %get3A_780 = arith.constant 32 : index
    %get3A_781 = tpu.vector_load %arg15[%get3A_779, %get3A_780] {strides = array<i32>} : memref<4x128xf32, #tpu.memory_space<vmem>>, vector<1x16xf32>,
    %get3A_782 = vector.shape_cast %get3A_781 : vector<1x16xf32> to vector<16xf32>
    %add3A_783 = arith.addf %get3A_777, %get3A_782 : vector<16xf32>
    %swap3A_784 = arith.constant 3 : i32
    %swap3A_785 = arith.index_cast %swap3A_784 : i32 to index
    %swap3A_786 = arith.constant 32 : index
    %swap3A_787 = tpu.vector_load %arg16[%swap3A_785, %swap3A_786] {strides = array<i32>} : memref<4x128xf32, #tpu.memory_space<vmem>>, vector<1x16xf32>,
    %swap3A_788 = vector.shape_cast %swap3A_787 : vector<1x16xf32> to vector<16xf32>
    %swap3A_789 = vector.shape_cast %add3A_783 : vector<16xf32> to vector<1x16xf32>
    tpu.vector_store %arg16[%swap3A_785, %swap3A_786], %swap3A_789 {strides = array<i32>} : memref<4x128xf32, #tpu.memory_space<vmem>>, vector<1x16xf32>,
    %get3A_790 = arith.constant 3 : i32
    %get3A_791 = arith.index_cast %get3A_790 : i32 to index
    %get3A_792 = arith.constant 48 : index
    %get3A_793 = tpu.vector_load %arg14[%get3A_791, %get3A_792] {strides = array<i32>} : memref<4x128xf32, #tpu.memory_space<vmem>>, vector<1x16xf32>,
    %get3A_794 = vector.shape_cast %get3A_793 : vector<1x16xf32> to vector<16xf32>
    %get3A_795 = arith.constant 3 : i32
    %get3A_796 = arith.index_cast %get3A_795 : i32 to index
    %get3A_797 = arith.constant 48 : index
    %get3A_798 = tpu.vector_load %arg15[%get3A_796, %get3A_797] {strides = array<i32>} : memref<4x128xf32, #tpu.memory_space<vmem>>, vector<1x16xf32>,
    %get3A_799 = vector.shape_cast %get3A_798 : vector<1x16xf32> to vector<16xf32>
    %add3A_800 = arith.addf %get3A_794, %get3A_799 : vector<16xf32>
    %swap3A_801 = arith.constant 3 : i32
    %swap3A_802 = arith.index_cast %swap3A_801 : i32 to index
    %swap3A_803 = arith.constant 48 : index
    %swap3A_804 = tpu.vector_load %arg16[%swap3A_802, %swap3A_803] {strides = array<i32>} : memref<4x128xf32, #tpu.memory_space<vmem>>, vector<1x16xf32>,
    %swap3A_805 = vector.shape_cast %swap3A_804 : vector<1x16xf32> to vector<16xf32>
    %swap3A_806 = vector.shape_cast %add3A_800 : vector<16xf32> to vector<1x16xf32>
    tpu.vector_store %arg16[%swap3A_802, %swap3A_803], %swap3A_806 {strides = array<i32>} : memref<4x128xf32, #tpu.memory_space<vmem>>, vector<1x16xf32>,
    %get3A_807 = arith.constant 3 : i32
    %get3A_808 = arith.index_cast %get3A_807 : i32 to index
    %get3A_809 = arith.constant 64 : index
    %get3A_810 = tpu.vector_load %arg14[%get3A_808, %get3A_809] {strides = array<i32>} : memref<4x128xf32, #tpu.memory_space<vmem>>, vector<1x16xf32>,
    %get3A_811 = vector.shape_cast %get3A_810 : vector<1x16xf32> to vector<16xf32>
    %get3A_812 = arith.constant 3 : i32
    %get3A_813 = arith.index_cast %get3A_812 : i32 to index
    %get3A_814 = arith.constant 64 : index
    %get3A_815 = tpu.vector_load %arg15[%get3A_813, %get3A_814] {strides = array<i32>} : memref<4x128xf32, #tpu.memory_space<vmem>>, vector<1x16xf32>,
    %get3A_816 = vector.shape_cast %get3A_815 : vector<1x16xf32> to vector<16xf32>
    %add3A_817 = arith.addf %get3A_811, %get3A_816 : vector<16xf32>
    %swap3A_818 = arith.constant 3 : i32
    %swap3A_819 = arith.index_cast %swap3A_818 : i32 to index
    %swap3A_820 = arith.constant 64 : index
    %swap3A_821 = tpu.vector_load %arg16[%swap3A_819, %swap3A_820] {strides = array<i32>} : memref<4x128xf32, #tpu.memory_space<vmem>>, vector<1x16xf32>,
    %swap3A_822 = vector.shape_cast %swap3A_821 : vector<1x16xf32> to vector<16xf32>
    %swap3A_823 = vector.shape_cast %add3A_817 : vector<16xf32> to vector<1x16xf32>
    tpu.vector_store %arg16[%swap3A_819, %swap3A_820], %swap3A_823 {strides = array<i32>} : memref<4x128xf32, #tpu.memory_space<vmem>>, vector<1x16xf32>,
    %get3A_824 = arith.constant 3 : i32
    %get3A_825 = arith.index_cast %get3A_824 : i32 to index
    %get3A_826 = arith.constant 80 : index
    %get3A_827 = tpu.vector_load %arg14[%get3A_825, %get3A_826] {strides = array<i32>} : memref<4x128xf32, #tpu.memory_space<vmem>>, vector<1x16xf32>,
    %get3A_828 = vector.shape_cast %get3A_827 : vector<1x16xf32> to vector<16xf32>
    %get3A_829 = arith.constant 3 : i32
    %get3A_830 = arith.index_cast %get3A_829 : i32 to index
    %get3A_831 = arith.constant 80 : index
    %get3A_832 = tpu.vector_load %arg15[%get3A_830, %get3A_831] {strides = array<i32>} : memref<4x128xf32, #tpu.memory_space<vmem>>, vector<1x16xf32>,
    %get3A_833 = vector.shape_cast %get3A_832 : vector<1x16xf32> to vector<16xf32>
    %add3A_834 = arith.addf %get3A_828, %get3A_833 : vector<16xf32>
    %swap3A_835 = arith.constant 3 : i32
    %swap3A_836 = arith.index_cast %swap3A_835 : i32 to index
    %swap3A_837 = arith.constant 80 : index
    %swap3A_838 = tpu.vector_load %arg16[%swap3A_836, %swap3A_837] {strides = array<i32>} : memref<4x128xf32, #tpu.memory_space<vmem>>, vector<1x16xf32>,
    %swap3A_839 = vector.shape_cast %swap3A_838 : vector<1x16xf32> to vector<16xf32>
    %swap3A_840 = vector.shape_cast %add3A_834 : vector<16xf32> to vector<1x16xf32>
    tpu.vector_store %arg16[%swap3A_836, %swap3A_837], %swap3A_840 {strides = array<i32>} : memref<4x128xf32, #tpu.memory_space<vmem>>, vector<1x16xf32>,
    %get3A_841 = arith.constant 3 : i32
    %get3A_842 = arith.index_cast %get3A_841 : i32 to index
    %get3A_843 = arith.constant 96 : index
    %get3A_844 = tpu.vector_load %arg14[%get3A_842, %get3A_843] {strides = array<i32>} : memref<4x128xf32, #tpu.memory_space<vmem>>, vector<1x16xf32>,
    %get3A_845 = vector.shape_cast %get3A_844 : vector<1x16xf32> to vector<16xf32>
    %get3A_846 = arith.constant 3 : i32
    %get3A_847 = arith.index_cast %get3A_846 : i32 to index
    %get3A_848 = arith.constant 96 : index
    %get3A_849 = tpu.vector_load %arg15[%get3A_847, %get3A_848] {strides = array<i32>} : memref<4x128xf32, #tpu.memory_space<vmem>>, vector<1x16xf32>,
    %get3A_850 = vector.shape_cast %get3A_849 : vector<1x16xf32> to vector<16xf32>
    %add3A_851 = arith.addf %get3A_845, %get3A_850 : vector<16xf32>
    %swap3A_852 = arith.constant 3 : i32
    %swap3A_853 = arith.index_cast %swap3A_852 : i32 to index
    %swap3A_854 = arith.constant 96 : index
    %swap3A_855 = tpu.vector_load %arg16[%swap3A_853, %swap3A_854] {strides = array<i32>} : memref<4x128xf32, #tpu.memory_space<vmem>>, vector<1x16xf32>,
    %swap3A_856 = vector.shape_cast %swap3A_855 : vector<1x16xf32> to vector<16xf32>
    %swap3A_857 = vector.shape_cast %add3A_851 : vector<16xf32> to vector<1x16xf32>
    tpu.vector_store %arg16[%swap3A_853, %swap3A_854], %swap3A_857 {strides = array<i32>} : memref<4x128xf32, #tpu.memory_space<vmem>>, vector<1x16xf32>,
    %get3A_858 = arith.constant 3 : i32
    %get3A_859 = arith.index_cast %get3A_858 : i32 to index
    %get3A_860 = arith.constant 112 : index
    %get3A_861 = tpu.vector_load %arg14[%get3A_859, %get3A_860] {strides = array<i32>} : memref<4x128xf32, #tpu.memory_space<vmem>>, vector<1x16xf32>,
    %get3A_862 = vector.shape_cast %get3A_861 : vector<1x16xf32> to vector<16xf32>
    %get3A_863 = arith.constant 3 : i32
    %get3A_864 = arith.index_cast %get3A_863 : i32 to index
    %get3A_865 = arith.constant 112 : index
    %get3A_866 = tpu.vector_load %arg15[%get3A_864, %get3A_865] {strides = array<i32>} : memref<4x128xf32, #tpu.memory_space<vmem>>, vector<1x16xf32>,
    %get3A_867 = vector.shape_cast %get3A_866 : vector<1x16xf32> to vector<16xf32>
    %add3A_868 = arith.addf %get3A_862, %get3A_867 : vector<16xf32>
    %swap3A_869 = arith.constant 3 : i32
    %swap3A_870 = arith.index_cast %swap3A_869 : i32 to index
    %swap3A_871 = arith.constant 112 : index
    %swap3A_872 = tpu.vector_load %arg16[%swap3A_870, %swap3A_871] {strides = array<i32>} : memref<4x128xf32, #tpu.memory_space<vmem>>, vector<1x16xf32>,
    %swap3A_873 = vector.shape_cast %swap3A_872 : vector<1x16xf32> to vector<16xf32>
    %swap3A_874 = vector.shape_cast %add3A_868 : vector<16xf32> to vector<1x16xf32>
    tpu.vector_store %arg16[%swap3A_870, %swap3A_871], %swap3A_874 {strides = array<i32>} : memref<4x128xf32, #tpu.memory_space<vmem>>, vector<1x16xf32>,
    "tpu.region"() ({
      %run_scoped3A = tpu.sem_alloc : memref<!tpu.dma_semaphore, #tpu.memory_space<semaphore_mem>>
      %dma_start3A_875 = arith.constant 0 : i32
      %dma_start3A_876 = tpu.memref_slice %arg9[%mul3A_2, %dma_start3A_875] : memref<128x128xf32, #tpu.memory_space<hbm>> -> memref<4x128xf32, #tpu.memory_space<hbm>>
      %dma_start3A_877 = arith.constant 0 : i32
      %dma_start3A_878 = tpu.memref_slice %arg9[%mul3A_2, %dma_start3A_877] : memref<128x128xf32, #tpu.memory_space<hbm>> -> memref<4x128xf32, #tpu.memory_space<hbm>>
      tpu.enqueue_dma source(%arg16 : memref<4x128xf32, #tpu.memory_space<vmem>>) target(%dma_start3A_878 : memref<4x128xf32, #tpu.memory_space<hbm>>) target_semaphore(%run_scoped3A : memref<!tpu.dma_semaphore, #tpu.memory_space<semaphore_mem>>)
      %dma_wait3A_879 = arith.constant 0 : i32
      %dma_wait3A_880 = tpu.memref_slice %arg9[%mul3A_2, %dma_wait3A_879] : memref<128x128xf32, #tpu.memory_space<hbm>> -> memref<4x128xf32, #tpu.memory_space<hbm>>
      %dma_wait3A_881 = arith.constant 0 : i32
      %dma_wait3A_882 = tpu.memref_slice %arg9[%mul3A_2, %dma_wait3A_881] : memref<128x128xf32, #tpu.memory_space<hbm>> -> memref<4x128xf32, #tpu.memory_space<hbm>>
      tpu.wait_dma2 semaphore(%run_scoped3A : memref<!tpu.dma_semaphore, #tpu.memory_space<semaphore_mem>>) src(%arg16 : memref<4x128xf32, #tpu.memory_space<vmem>>) dst(%dma_wait3A_882 : memref<4x128xf32, #tpu.memory_space<hbm>>)
      tpu.yield
    }) : () -> ()
    return
  }
}

module attributes {stable_mosaic.version = 14 : i64} {
  func.func @_tr_body(%arg0: i32, %arg1: memref<16x8192xf32, #tpu.memory_space<vmem>>, %arg2: memref<16x8192xf32, #tpu.memory_space<vmem>>, %arg3: memref<8192x16xf32, #tpu.memory_space<vmem>>, %arg4: memref<8192x16xf32, #tpu.memory_space<vmem>>) attributes {dimension_semantics = [#tpu.dimension_semantics<arbitrary>], iteration_bounds = array<i64: 123>, scalar_prefetch = 0 : i64, scratch_operands = 0 : i64, tpu.core_type = #tpu.core_type<tc>, window_params = [{transform_indices = @transform_0, window_bounds = array<i64: 16, 8192>}, {transform_indices = @transform_1, window_bounds = array<i64: 16, 8192>}, {transform_indices = @transform_2, window_bounds = array<i64: 8192, 16>}, {transform_indices = @transform_3, window_bounds = array<i64: 8192, 16>}]} {
    %get3A = arith.constant 0 : index
    %get3A_0 = arith.constant 0 : index
    %get3A_1 = vector.load %arg1[%get3A, %get3A_0] : memref<16x8192xf32, #tpu.memory_space<vmem>>, vector<16x8192xf32>
    %transpose3A = tpu.transpose %get3A_1, [1, 0] : vector<16x8192xf32> -> vector<8192x16xf32>
    %swap3A = arith.constant 0 : index
    %swap3A_2 = arith.constant 0 : index
    %swap3A_3 = vector.load %arg3[%swap3A, %swap3A_2] : memref<8192x16xf32, #tpu.memory_space<vmem>>, vector<8192x16xf32>
    tpu.vector_store %arg3[%swap3A, %swap3A_2], %transpose3A {strides = array<i32>} : memref<8192x16xf32, #tpu.memory_space<vmem>>, vector<8192x16xf32>,
    %get3A_4 = arith.constant 0 : index
    %get3A_5 = arith.constant 0 : index
    %get3A_6 = vector.load %arg2[%get3A_4, %get3A_5] : memref<16x8192xf32, #tpu.memory_space<vmem>>, vector<16x8192xf32>
    %transpose3A_7 = tpu.transpose %get3A_6, [1, 0] : vector<16x8192xf32> -> vector<8192x16xf32>
    %swap3A_8 = arith.constant 0 : index
    %swap3A_9 = arith.constant 0 : index
    %swap3A_10 = vector.load %arg4[%swap3A_8, %swap3A_9] : memref<8192x16xf32, #tpu.memory_space<vmem>>, vector<8192x16xf32>
    tpu.vector_store %arg4[%swap3A_8, %swap3A_9], %transpose3A_7 {strides = array<i32>} : memref<8192x16xf32, #tpu.memory_space<vmem>>, vector<8192x16xf32>,
    return
  }
  func.func @transform_0(%arg0: i32) -> (i32, i32) {
    %c0_i32 = arith.constant 0 : i32
    %c0_i32_0 = arith.constant 0 : i32
    return %c0_i32, %arg0 : i32, i32
  }
  func.func @transform_1(%arg0: i32) -> (i32, i32) {
    %c0_i32 = arith.constant 0 : i32
    %c0_i32_0 = arith.constant 0 : i32
    return %c0_i32, %arg0 : i32, i32
  }
  func.func @transform_2(%arg0: i32) -> (i32, i32) {
    %c0_i32 = arith.constant 0 : i32
    %c0_i32_0 = arith.constant 0 : i32
    return %arg0, %c0_i32 : i32, i32
  }
  func.func @transform_3(%arg0: i32) -> (i32, i32) {
    %c0_i32 = arith.constant 0 : i32
    %c0_i32_0 = arith.constant 0 : i32
    return %arg0, %c0_i32 : i32, i32
  }
}

module attributes {stable_mosaic.version = 14 : i64} {
  func.func @_combine_body(%arg0: memref<4x128xf32, #tpu.memory_space<vmem>>, %arg1: memref<128x128xf32, #tpu.memory_space<vmem>>, %arg2: memref<128x128xf32, #tpu.memory_space<vmem>>) attributes {dimension_semantics = [], scalar_prefetch = 0 : i64, scratch_operands = 0 : i64, tpu.core_type = #tpu.core_type<tc>} {
    %get3A = arith.constant 0 : index
    %get3A_0 = arith.constant 0 : index
    %get3A_1 = vector.load %arg0[%get3A, %get3A_0] : memref<4x128xf32, #tpu.memory_space<vmem>>, vector<4x128xf32>
    %reduce_sum3A = vector.shape_cast %get3A_1 : vector<4x128xf32> to vector<1x4x128xf32>
    %reduce_sum3A_2 = arith.constant dense<0.000000e+00> : vector<1xf32>
    %reduce_sum3A_3 = vector.multi_reduction <add>, %reduce_sum3A, %reduce_sum3A_2 [1, 2] : vector<1x4x128xf32> to vector<1xf32>
    %reduce_sum3A_4 = vector.shape_cast %reduce_sum3A_3 : vector<1xf32> to vector<1x1x1xf32>
    %reduce_sum3A_5 = vector.extract %reduce_sum3A_4[0, 0, 0] : f32 from vector<1x1x1xf32>
    %get3A_6 = arith.constant 0 : index
    %get3A_7 = arith.constant 0 : index
    %get3A_8 = vector.load %arg1[%get3A_6, %get3A_7] : memref<128x128xf32, #tpu.memory_space<vmem>>, vector<128x128xf32>
    %add3A = vector.broadcast %reduce_sum3A_5 : f32 to vector<128x128xf32>
    %add3A_9 = arith.addf %get3A_8, %add3A : vector<128x128xf32>
    %logistic3A = arith.negf %add3A_9 : vector<128x128xf32>
    %logistic3A_10 = math.exp %logistic3A : vector<128x128xf32>
    %logistic3A_11 = arith.constant 1.000000e+00 : f32
    %logistic3A_12 = vector.broadcast %logistic3A_11 : f32 to vector<128x128xf32>
    %logistic3A_13 = arith.addf %logistic3A_12, %logistic3A_10 : vector<128x128xf32>
    %logistic3A_14 = arith.divf %logistic3A_12, %logistic3A_13 : vector<128x128xf32>
    %swap3A = arith.constant 0 : index
    %swap3A_15 = arith.constant 0 : index
    %swap3A_16 = vector.load %arg2[%swap3A, %swap3A_15] : memref<128x128xf32, #tpu.memory_space<vmem>>, vector<128x128xf32>
    tpu.vector_store %arg2[%swap3A, %swap3A_15], %logistic3A_14 {strides = array<i32>} : memref<128x128xf32, #tpu.memory_space<vmem>>, vector<128x128xf32>,
    return
  }
}

</mosaic_0001>

<sc_bundles>
// kernel: kernel.5.cloned.1.call-start
scs
__scs_entry_jumppad:
0x0: {  	(pc) =	sbr.rel $0x88, $3  }
0x1: {  	(tag) =	ssettag $0x0;
	lr =	simm.s32 $0x1  }
0x2: {  	[smem:$0x3F9C] =	sst lr;
	_ =	strace $0xD0000000  }
0x3: {  	_ = 	snop  }
0x4: {  	_ = 	snop  }
0x5: {  	_ = 	snop  }
0x6: {  	_ = 	snop  }
0x7: {  	_ = 	snop  }
__scs_overlays_trampoline_lowered:
0x8: {  	[smem:$0x3FAB] =	sst s0  }
0x9: {  	[smem:$0x3FAC] =	sst s1  }
0xa: {  	[smem:$0x3FAD] =	sst s2  }
0xb: {  	[smem:$0x3FAE] =	sst s3  }
0xc: {  	[smem:$0x3FAF] =	sst s4  }
0xd: {  	[smem:$0x3FB0] =	sst s5  }
0xe: {  	[smem:$0x3FB1] =	sst s6  }
0xf: {  	[smem:$0x3FB2] =	sst s7  }
0x10: {  	[smem:$0x3FB3] =	sst s8  }
0x11: {  	[smem:$0x3FB4] =	sst s9;
	s0 =	simm.s32 @!p0 $0x0  }
0x12: {  	s1 =	sld [smem:$0x3F9A];
	s0 =	simm.s32 @p0 $0x1  }
0x13: {  	[smem:$0x3FB5] =	sst s0;
	s0 =	simm.s32 @!p1 $0x0  }
0x14: {  	s2 =	sld [smem:$0x3F99];
	s0 =	simm.s32 @p1 $0x1  }
0x15: {  	[smem:$0x3FB6] =	sst s0;
	s0 =	simm.s32 @!p2 $0x0  }
0x16: {  	s3 =	sld [smem:$0x3FDB];
	s0 =	simm.s32 @p2 $0x1  }
0x17: {  	s4 =	simm.s32 $0x1BF5;
	[smem:$0x3FB8] =	sst s0  }
0x18: {  	s0 =	sld [smem:$0x3F9B];
	_ =	swait.ge [sflag:s4], $0x0  }
0x19: {  	s7 =	sld [smem:$0x3F9C]  }
0x1a: {  	s8 =	sadd.s32 $0xFFFFE003, lr  }
0x1b: {  	s9 =	sadd.s32 $0xFFFFFEF7, lr;
	s5 =	simm.s32 $0xFFFFFFFF;
	p2 =	slt.u32 s8, $0xFFFFF086  }
0x1c: {  	p1 =	slt.u32 s9, $0xF7A;
	s5 =	simm.s32 @!p2 $0x0  }
0x1d: {  	s5 =	simm.s32 @p1 $0x1;
	p0 =	seq.s32 s7, s2  }
0x1e: {  	s7 =	smul.u32 @!p0 $0xF7A, s2;
	p2 =	seq.s32 @!p0 s5, $0x0  }
0x1f: {  	s9 =	smul.u32 $0xF7A, s1;
	s8 =	simm.s32 @!p0 $0x1BF5;
	p2 =	por !p2, p0  }
0x20: {  	[sflag:s8] =	ssyncset.s32 @!p0 $0xFFFFF086;
	s6 =	sadd.s32 @!p0 s3, s7;
	s7 =	simm.s32 @!p0 $0x108  }
0x21: {  	s3 =	sadd.s32 s3, s9;
	s6 =	sadd.s32 @!p0 $0x88, s6;
	s7 =	simm.s32 @p2 $0x1082  }
0x22: {  	[simem:s7], [sflag:s8] =	dma.local @!p0 [hbm:s6], $0xF7A  }
0x23: {  	s9 =	sor.u32 $0xD0000000, s2;
	s6 =	simm.s32 $0x108;
	_ =	swait.ge @!p0 [sflag:s8], $0x0  }
0x24: {  	s3 =	sadd.s32 $0x88, s3;
	s6 =	simm.s32 @!p1 $0x1082;
	[sflag:s4] =	ssyncset.s32 $0xFFFFF086  }
0x25: {  	[simem:s6], [sflag:s4] =	dma.local [hbm:s3], $0xF7A  }
0x26: {  	[smem:$0x3F9C] =	sst s1;
	(tag) =	ssettag s2;
	_ =	strace s9  }
0x27: {  	s1 =	sld [smem:$0x3FAC]  }
0x28: {  	s2 =	sld [smem:$0x3FAD]  }
0x29: {  	s4 =	sld [smem:$0x3FAF]  }
0x2a: {  	p0 =	seq.s32 s5, $0x0;
	s5 =	sld [smem:$0x3FB0]  }
0x2b: {  	s6 =	sld [smem:$0x3FB1]  }
0x2c: {  	s7 =	sld [smem:$0x3FB2]  }
0x2d: {  	s3 =	simm.s32 $0x108;
	s8 =	sld [smem:$0x3FB3]  }
0x2e: {  	s3 =	simm.s32 @!p0 $0x1082;
	s9 =	sld [smem:$0x3FB4]  }
0x2f: {  	lr =	sadd.s32 s0, s3;
	s0 =	sld [smem:$0x3FAB]  }
0x30: {  	s3 =	sld [smem:$0x3FAE]  }
0x31: {  	[smem:$0x3FB7] =	sst s10  }
0x32: {  	s10 =	sld [smem:$0x3FB5];
	_ =	sdelay $0x3  }
0x33: {  	p0 =	seq.s32 s10, $0x1;
	s10 =	sld [smem:$0x3FB7];
	_ =	sdelay $0x3  }
0x34: {  	[smem:$0x3FB7] =	sst s10  }
0x35: {  	s10 =	sld [smem:$0x3FB6];
	_ =	sdelay $0x3  }
0x36: {  	p1 =	seq.s32 s10, $0x1;
	s10 =	sld [smem:$0x3FB7];
	_ =	sdelay $0x3  }
0x37: {  	[smem:$0x3FB7] =	sst s10  }
0x38: {  	s10 =	sld [smem:$0x3FB8]  }
0x39: {  	_ = 	snop;
	(pc) =	sbr.ind lr, $3  }
0x3a: {  	_ = 	snop  }
0x3b: {  	_ = 	snop  }
0x3c: {  	p2 =	seq.s32 s10, $0x1;
	s10 =	sld [smem:$0x3FB7]  }
0x3d: {  	_ =	shalt  }
0x3e: {  	_ =	shalt  }
0x3f: {  	_ =	shalt  }
0x40: {  	_ =	shalt  }
0x41: {  	_ =	shalt  }
0x42: {  	_ =	shalt  }
0x43: {  	_ =	shalt  }
0x44: {  	_ =	shalt  }
0x45: {  	_ =	shalt  }
0x46: {  	_ =	shalt  }
0x47: {  	_ =	shalt  }
0x48: {  	_ =	shalt  }
0x49: {  	_ =	shalt  }
0x4a: {  	_ =	shalt  }
0x4b: {  	_ =	shalt  }
0x4c: {  	_ =	shalt  }
0x4d: {  	_ =	shalt  }
0x4e: {  	_ =	shalt  }
0x4f: {  	_ =	shalt  }
0x50: {  	_ =	shalt  }
0x51: {  	_ =	shalt  }
0x52: {  	_ =	shalt  }
0x53: {  	_ =	shalt  }
0x54: {  	_ =	shalt  }
0x55: {  	_ =	shalt  }
0x56: {  	_ =	shalt  }
0x57: {  	_ =	shalt  }
0x58: {  	_ =	shalt  }
0x59: {  	_ =	shalt  }
0x5a: {  	_ =	shalt  }
0x5b: {  	_ =	shalt  }
0x5c: {  	_ =	shalt  }
0x5d: {  	_ =	shalt  }
0x5e: {  	_ =	shalt  }
0x5f: {  	_ =	shalt  }
0x60: {  	_ =	shalt  }
0x61: {  	_ =	shalt  }
0x62: {  	_ =	shalt  }
0x63: {  	_ =	shalt  }
0x64: {  	_ =	shalt  }
0x65: {  	_ =	shalt  }
0x66: {  	_ =	shalt  }
0x67: {  	_ =	shalt  }
0x68: {  	_ =	shalt  }
0x69: {  	_ =	shalt  }
0x6a: {  	_ =	shalt  }
0x6b: {  	_ =	shalt  }
0x6c: {  	_ =	shalt  }
0x6d: {  	_ =	shalt  }
0x6e: {  	_ =	shalt  }
0x6f: {  	_ =	shalt  }
0x70: {  	_ =	shalt  }
0x71: {  	_ =	shalt  }
0x72: {  	_ =	shalt  }
0x73: {  	_ =	shalt  }
0x74: {  	_ =	shalt  }
0x75: {  	_ =	shalt  }
0x76: {  	_ =	shalt  }
0x77: {  	_ =	shalt  }
0x78: {  	_ =	shalt  }
0x79: {  	_ =	shalt  }
0x7a: {  	_ =	shalt  }
0x7b: {  	_ =	shalt  }
0x7c: {  	_ =	shalt  }
0x7d: {  	_ =	shalt  }
0x7e: {  	_ =	shalt  }
0x7f: {  	_ =	shalt  }
0x80: {  	_ =	shalt  }
0x81: {  	_ =	shalt  }
0x82: {  	_ =	shalt  }
0x83: {  	_ =	shalt  }
0x84: {  	_ =	shalt  }
0x85: {  	_ =	shalt  }
0x86: {  	_ =	shalt  }
0x87: {  	_ =	shalt  }
.Lfunc_end0:
.L_simem_size_0:
called_computation_lowered:
.L_overlay_start_0:
0x88: {  	s2 =	sld [smem:$0x3FD9]  }
0x89: {  	s3 =	sld [smem:$0x3FFE];
	_ =	sdelay $0x1  }
0x8a: {  	s1 =	srdreg.scid  }
0x8b: {  	s0 =	sand.u32 $0x1, s1  }
0x8c: {  	s17 =	sshll.u32 s0, $0xA;
	s2 =	sadd.s32 s3, s2  }
0x8d: {  	s2 =	sadd.s32 s2, s17  }
0x8e: {  	[smem:$0x3FC3] =	sst s2  }
0x8f: {  	_ = 	snop  }
0x90: {  	s2 =	sld [smem:$0x3FD0];
	(tm) =	ssettm $0x1  }
0x91: {  	s18 =	sld [smem:$0x3FFB];
	_ =	sdelay $0x3  }
0x92: {  	_ =	strace s18  }
0x93: {  	s3 =	sld [smem:$0x3FFC];
	_ =	sdelay $0x3  }
0x94: {  	_ =	strace s3  }
0x95: {  	s3 =	sld [smem:$0x3FFD];
	_ =	sdelay $0x3  }
0x96: {  	_ =	strace s3  }
0x97: {  	_ =	strace $0x8FFFFFFF  }
0x98: {  	s19 =	sld [smem:$0x3FDB];
	_ =	sdelay $0x1  }
0x99: {  	s4 =	simm.s32 $_scs_section_size  }
0x9a: {  	s5 =	simm.s32 $_size__tile_overlayer_lowered;
	s6 =	simm.s32 $_tile_overlayer_lowered  }
0x9b: {  	s22 =	simm.s32 $0x1BFF;
	s21 =	sshll.u32 s6, $0x1;
	s3 =	sadd.s32 s4, s19  }
0x9c: {  	s7 =	simm.s32 $0x0;
	s20 =	sshll.u32 s5, $0x1;
	s5 =	sadd.s32 s21, s3  }
0x9d: {  	[timem:s7], [sflag:s22] =	dma.local [hbm:s5], s20  }
0x9e: {  	_ =	swait.ge [sflag:s22], s20  }
0x9f: {  	s4 =	ssub.s32 $0x0, s20;
	[sflag:s22] =	ssyncset.done $0x0  }
0xa0: {  	[sflag:s22] =	ssyncadd.s32 s4;
	_ =	sdelay $0x1  }
0xa1: {  	s23 =	simm.s32 $0x1B8B  }
0xa2: {  	_ =	swait.ge [sflag:s23], $0x1  }
0xa3: {  	[sflag:s23] =	ssyncset.done $0x0  }
0xa4: {  	s25 =	simm.s32 $0x1B8E;
	s24 =	sld [smem:$0x3FFE];
	[sflag:s23] =	ssyncadd.s32 $0xFFFFFFFF  }
0xa5: {  	s26 =	simm.s32 $execute0_lowered;
	[smem:$0x3FD2] =	sst s25  }
0xa6: {  	s5 =	sshll.u32 s26, $0x1;
	_ =	strace $0x80000046;
	[dreg:$0x1] =	wrdreg $0xFFFFFFFF  }
0xa7: {  	s28 =	simm.s32 $_size_execute0_lowered;
	s3 =	sadd.s32 s3, s5;
	[dreg:$0x0] =	wrdreg $0x0  }
0xa8: {  	s5 =	sshll.u32 s28, $0x1;
	[dreg:$0x2] =	wrdreg s3  }
0xa9: {  	[dreg:$0x3] =	wrdreg s5  }
0xaa: {  	[dreg:$0x4] =	wrdreg $0xC0  }
0xab: {  	_ =	task [dreg:s7], $0x5FFFF  }
0xac: {  	[dreg:$0x1] =	wrdreg $0xFFFFFFFF  }
0xad: {  	[dreg:$0x0] =	wrdreg $0x60  }
0xae: {  	[dreg:$0x2] =	wrdreg s24  }
0xaf: {  	[dreg:$0x3] =	wrdreg s2  }
0xb0: {  	[dreg:$0x4] =	wrdreg $0x9  }
0xb1: {  	_ =	task.clear_ibuf [dreg:s7], $0x5FFFF;
	_ =	strace $0x90000046  }
0xb2: {  	s29 =	simm.s32 $0x9;
	_ =	strace $0x80000048  }
0xb3: {  	_ =	swait.ge [sflag:s29], $0x1  }
0xb4: {  	[sflag:s29] =	ssyncadd.s32 $0xFFFFFFFF  }
0xb5: {  	_ =	strace $0x90000048  }
0xb6: {  	_ =	sfence  }
0xb7: {  	s30 =	sld [smem:$0x0];
	_ =	sdelay $0x2  }
0xb8: {  	s31 =	sshll.u32 s1, $0xD;
	s1 =	sshrl.u32 s1, $0x2  }
0xb9: {  	s3 =	sand.u32 $0x4000, s31;
	s1 =	sadd.s32 s1, s30  }
0xba: {  	s0 =	sor.u32 s3, s0;
	s1 =	sshll.u32 s1, $0x11  }
0xbb: {  	s0 =	sor.u32 s1, s0  }
0xbc: {  	s0 =	sadd.s32 $0x8F2B, s0  }
0xbd: {  	[sflag:s0] =	ssyncadd.remote.s32 $0x1  }
0xbe: {  	_ =	sfence.sel $0xFFFF  }
0xbf: {  	[dreg:$0x0] =	wrdreg $0xFFFFFFFF;
	(pc) =	sbr.abs _section_cstart, $3  }
0xc0: {  	[dreg:$0x1] =	wrdreg $0xFFFFFFFF  }
0xc1: {  	_ =	task.clear_ibuf [dreg:s7], $0x2FFFF;
	_ =	strace $0x9FFFFFFF  }
0xc2: {  	(tm) =	ssettm $0x7FFFFFFF  }
0xc3: {  	_ =	shalt  }
tec
execute0_lowered:
.L_overlay_start_1:
0x0: {  	(tag) =	ssettag $0x1  }
0x1: {  	s0 =	rddreg [dreg:$0x0]  }
0x2: {  	s2 =	rddreg [dreg:$0x1];
	s1 =	simm.s32 $0x0  }
0x3: {  	s6 =	srdreg.scid;
	s8 =	stileid.u32;
	s12 =	simm.s32 $0x2  }
0x4: {  	s13 =	simm.s32 $0x200;
	s14 =	simm.s32 $0x80;
	s20 =	simm.s32 $0x280  }
0x5: {  	s24 =	simm.s32 $0x100;
	s26 =	simm.s32 $0x300;
	s28 =	simm.s32 $0x3400  }
0x6: {  	s29 =	simm.s32 $0x4500;
	s30 =	simm.s32 $0x4700;
	s31 =	simm.s32 $0x180  }
0x7: {  	s15 =	simm.s32 $0x3C00;
	s16 =	simm.s32 $0x4580;
	s17 =	simm.s32 $0x4780  }
0x8: {  	s18 =	simm.s32 $0x1;
	s19 =	simm.s32 $0x4A00;
	s21 =	simm.s32 $0x4800  }
0x9: {  	s22 =	simm.s32 $0x0;
	[smem:$0x7FF] =	sst s1;
	s3 =	sadd.s32 $0xC00, s0  }
0xa: {  	s4 =	sadd.s32 $0x1E85400, s0;
	s7 =	sand.u32 $0x1, s6;
	s8 =	sshll.u32 s8, $0x1  }
0xb: {  	s5 =	sadd.s32 $0x208400, s0;
	s6 =	sadd.s32 $0x1E9A00, s0;
	s8 =	sor.u32 s7, s8  }
0xc: {  	_ =	strace $0x80000047;
	s7 =	ssub.s32 $0x2, s7;
	s9 =	sshll.u32 s8, $0x1  }
0xd: {  	s8 =	sshll.u32 s8, $0x6;
	s10 =	sshrl.u32 s7, $0x1;
	s9 =	sadd.s32 s9, s0  }
0xe: {  	s0 =	sadd.s32 s8, s0;
	s8 =	sadd.s32 s2, s8;
	s2 =	simm.s32 $0x380  }
0xf: {  	s11 =	ssub.s32 s7, s10;
	s7 =	sadd.s32 $0x1E9200, s0;
	s9 =	sadd.s32 $0x227600, s9  }
0x10: {  	s10 =	sadd.s32 $0x226E00, s0;
	s11 =	smax.u32 s11, $0x1;
	s0 =	simm.s32 $0x1C00  }
.LBB2_1:
0x11: {  	[tilespmem:s1], [sflag:$0x2] =	stream.linear.gather [hbm4b:s7+s1], $0x200, $0x38;
	[tilespmem:$0x4A10] =	vst v63  }
0x12: {  	_ =	swait.ge [sflag:s12], $0x200  }
0x13: {  	[sflag:s12] =	ssyncset.done $0x0  }
0x14: {  	[sflag:s12] =	ssyncadd.s32 $0xFFFFFE00  }
0x15: {  	[tilespmem:s13], [sflag:$0x2] =	stream.linear.gather [hbm4b:s8+s1], $0x200, $0x38;
	[tilespmem:$0x4A10] =	vst v63  }
0x16: {  	_ =	swait.ge [sflag:s12], $0x200  }
0x17: {  	[sflag:s12] =	ssyncset.done $0x0  }
0x18: {  	s23 =	simm.s32 $0x400;
	[sflag:s12] =	ssyncadd.s32 $0xFFFFFE00  }
0x19: {  	[tilespmem:s23], [sflag:$0x1] =	stream.indirect.gather [hbm4b:s3+s14], $0x10, s1, s14, $0xb8;
	[tilespmem:$0x4A10] =	vst v63  }
0x1a: {  	s25 =	simm.s32 $0x2400  }
0x1b: {  	[tilespmem:s25], [sflag:$0x1] =	stream.indirect.gather [hbm4b:s4+s14], $0x10, s13, s14, $0xb8;
	[tilespmem:$0x4A10] =	vst v63  }
0x1c: {  	s25 =	simm.s32 $0x4400  }
0x1d: {  	[tilespmem:s25], [sflag:$0x1] =	stream.indirect.gather [hbm4b:s5+s14], $0x1, s1, s14, $0xb8;
	[tilespmem:$0x4A10] =	vst v63  }
0x1e: {  	s25 =	simm.s32 $0x4600  }
0x1f: {  	[tilespmem:s25], [sflag:$0x1] =	stream.indirect.gather [hbm4b:s6+s14], $0x1, s13, s14, $0xb8;
	[tilespmem:$0x4A10] =	vst v63  }
0x20: {  	s25 =	simm.s32 $0xC00  }
0x21: {  	[tilespmem:s25], [sflag:$0x1] =	stream.indirect.gather [hbm4b:s3+s14], $0x10, s14, s14, $0xb8;
	[tilespmem:$0x4A10] =	vst v63  }
0x22: {  	s25 =	simm.s32 $0x2C00  }
0x23: {  	[tilespmem:s25], [sflag:$0x1] =	stream.indirect.gather [hbm4b:s4+s14], $0x10, s20, s14, $0xb8;
	[tilespmem:$0x4A10] =	vst v63  }
0x24: {  	s25 =	simm.s32 $0x4480  }
0x25: {  	[tilespmem:s25], [sflag:$0x1] =	stream.indirect.gather [hbm4b:s5+s14], $0x1, s14, s14, $0xb8;
	[tilespmem:$0x4A10] =	vst v63  }
0x26: {  	s25 =	simm.s32 $0x4680  }
0x27: {  	[tilespmem:s25], [sflag:$0x1] =	stream.indirect.gather [hbm4b:s6+s14], $0x1, s20, s14, $0xb8;
	[tilespmem:$0x4A10] =	vst v63  }
0x28: {  	s25 =	simm.s32 $0x1400  }
0x29: {  	[tilespmem:s25], [sflag:$0x1] =	stream.indirect.gather [hbm4b:s3+s14], $0x10, s24, s14, $0xb8;
	[tilespmem:$0x4A10] =	vst v63  }
0x2a: {  	_ = 	snop  }
0x2b: {  	[tilespmem:s28], [sflag:$0x1] =	stream.indirect.gather [hbm4b:s4+s14], $0x10, s26, s14, $0xb8;
	[tilespmem:$0x4A10] =	vst v63  }
0x2c: {  	_ = 	snop  }
0x2d: {  	[tilespmem:s29], [sflag:$0x1] =	stream.indirect.gather [hbm4b:s5+s14], $0x1, s24, s14, $0xb8;
	[tilespmem:$0x4A10] =	vst v63  }
0x2e: {  	_ = 	snop  }
0x2f: {  	[tilespmem:s30], [sflag:$0x1] =	stream.indirect.gather [hbm4b:s6+s14], $0x1, s26, s14, $0xb8;
	[tilespmem:$0x4A10] =	vst v63  }
0x30: {  	_ = 	snop  }
0x31: {  	[tilespmem:s0], [sflag:$0x1] =	stream.indirect.gather [hbm4b:s3+s14], $0x10, s31, s14, $0xb8;
	[tilespmem:$0x4A10] =	vst v63  }
0x32: {  	_ = 	snop  }
0x33: {  	[tilespmem:s15], [sflag:$0x1] =	stream.indirect.gather [hbm4b:s4+s14], $0x10, s2, s14, $0xb8;
	[tilespmem:$0x4A10] =	vst v63  }
0x34: {  	_ = 	snop  }
0x35: {  	[tilespmem:s16], [sflag:$0x1] =	stream.indirect.gather [hbm4b:s5+s14], $0x1, s31, s14, $0xb8;
	[tilespmem:$0x4A10] =	vst v63  }
0x36: {  	_ = 	snop  }
0x37: {  	[tilespmem:s17], [sflag:$0x1] =	stream.indirect.gather [hbm4b:s6+s14], $0x1, s2, s14, $0xb8;
	[tilespmem:$0x4A10] =	vst v63  }
0x38: {  	_ =	swait.ge [sflag:s18], $0x800  }
0x39: {  	[sflag:s18] =	ssyncset.done $0x0  }
0x3a: {  	[sflag:s18] =	ssyncadd.s32 $0xFFFFF800  }
0x3b: {  	_ =	swait.ge [sflag:s18], $0x800  }
0x3c: {  	[sflag:s18] =	ssyncset.done $0x0  }
0x3d: {  	[sflag:s18] =	ssyncadd.s32 $0xFFFFF800  }
0x3e: {  	_ =	swait.ge [sflag:s18], $0x80  }
0x3f: {  	[sflag:s18] =	ssyncset.done $0x0  }
0x40: {  	[sflag:s18] =	ssyncadd.s32 $0xFFFFFF80  }
0x41: {  	_ =	swait.ge [sflag:s18], $0x80  }
0x42: {  	[sflag:s18] =	ssyncset.done $0x0  }
0x43: {  	[sflag:s18] =	ssyncadd.s32 $0xFFFFFF80  }
0x44: {  	_ =	swait.ge [sflag:s18], $0x800  }
0x45: {  	[sflag:s18] =	ssyncset.done $0x0  }
0x46: {  	[sflag:s18] =	ssyncadd.s32 $0xFFFFF800  }
0x47: {  	_ =	swait.ge [sflag:s18], $0x800  }
0x48: {  	[sflag:s18] =	ssyncset.done $0x0  }
0x49: {  	[sflag:s18] =	ssyncadd.s32 $0xFFFFF800  }
0x4a: {  	_ =	swait.ge [sflag:s18], $0x80  }
0x4b: {  	[sflag:s18] =	ssyncset.done $0x0  }
0x4c: {  	[sflag:s18] =	ssyncadd.s32 $0xFFFFFF80  }
0x4d: {  	_ =	swait.ge [sflag:s18], $0x80  }
0x4e: {  	[sflag:s18] =	ssyncset.done $0x0  }
0x4f: {  	[sflag:s18] =	ssyncadd.s32 $0xFFFFFF80  }
0x50: {  	_ =	swait.ge [sflag:s18], $0x800  }
0x51: {  	[sflag:s18] =	ssyncset.done $0x0  }
0x52: {  	[sflag:s18] =	ssyncadd.s32 $0xFFFFF800  }
0x53: {  	_ =	swait.ge [sflag:s18], $0x800  }
0x54: {  	[sflag:s18] =	ssyncset.done $0x0  }
0x55: {  	[sflag:s18] =	ssyncadd.s32 $0xFFFFF800  }
0x56: {  	_ =	swait.ge [sflag:s18], $0x80  }
0x57: {  	[sflag:s18] =	ssyncset.done $0x0  }
0x58: {  	[sflag:s18] =	ssyncadd.s32 $0xFFFFFF80  }
0x59: {  	_ =	swait.ge [sflag:s18], $0x80  }
0x5a: {  	[sflag:s18] =	ssyncset.done $0x0  }
0x5b: {  	[sflag:s18] =	ssyncadd.s32 $0xFFFFFF80  }
0x5c: {  	_ =	swait.ge [sflag:s18], $0x800  }
0x5d: {  	[sflag:s18] =	ssyncset.done $0x0  }
0x5e: {  	[sflag:s18] =	ssyncadd.s32 $0xFFFFF800  }
0x5f: {  	_ =	swait.ge [sflag:s18], $0x800  }
0x60: {  	[sflag:s18] =	ssyncset.done $0x0  }
0x61: {  	[sflag:s18] =	ssyncadd.s32 $0xFFFFF800  }
0x62: {  	_ =	swait.ge [sflag:s18], $0x80  }
0x63: {  	[sflag:s18] =	ssyncset.done $0x0  }
0x64: {  	[sflag:s18] =	ssyncadd.s32 $0xFFFFFF80  }
0x65: {  	_ =	swait.ge [sflag:s18], $0x80  }
0x66: {  	[sflag:s18] =	ssyncset.done $0x0  }
0x67: {  	s25 =	simm.s32 $0x0;
	[sflag:s18] =	ssyncadd.s32 $0xFFFFFF80  }
0x68: {  	v1 =	vld [tilespmem:s25+$0x400]  }
0x69: {  	v0 =	vimm.f32 $0.0e+00;
	s23 =	simm.s32 $0x40;
	v2 =	vld [tilespmem:s25+$0x2400]  }
.LBB2_2:
0x6a: {  	_ = 	snop  }
0x6b: {  	p0 =	sne.s32 s23, $0x7FC0  }
.Ltmp0:
0x6c: {  	_ = 	snop;
	(pc) =	sbr.rel @p0 .LBB2_2-.Ltmp0, $4  }
0x6d: {  	_ = 	snop  }
0x6e: {  	s25 =	sshra.s32 s23, $0x2;
	v3 =	vmul.f32 v2, v1  }
0x6f: {  	v1 =	vld [tilespmem:s25+$0x400]  }
0x70: {  	s23 =	sadd.s32 $0x40, s23;
	v2 =	vld [tilespmem:s25+$0x2400];
	v0 =	vadd.f32 v3, v0  }
0x71: {  	_ =	sdelay $0x3  }
0x72: {  	v1 =	vmul.f32 v2, v1;
	_ =	sdelay $0x1  }
0x73: {  	v0 =	vadd.f32 v1, v0;
	_ =	sdelay $0x1  }
0x74: {  	[tilespmem:$0x4A00] =	vst v0  }
0x75: {  	[hbm4b:s9+s1] =	stream.linear.scatter [tilespmem:s19], [sflag:$0x2], $0x10, $0x38;
	[tilespmem:$0x4A10] =	vst v63  }
0x76: {  	_ =	swait.ge [sflag:s12], $0x10  }
0x77: {  	[sflag:s12] =	ssyncset.done $0x0  }
0x78: {  	[sflag:s12] =	ssyncadd.s32 $0xFFFFFFF0  }
0x79: {  	v43 =	vld [tilespmem:$0x4400]  }
0x7a: {  	v44 =	vld [tilespmem:$0x4600]  }
0x7b: {  	v45 =	vld [tilespmem:$0x4410]  }
0x7c: {  	v3 =	vld [tilespmem:$0x4610]  }
0x7d: {  	v4 =	vld [tilespmem:$0x4420]  }
0x7e: {  	v5 =	vld [tilespmem:$0x4620]  }
0x7f: {  	v6 =	vld [tilespmem:$0x4430]  }
0x80: {  	v7 =	vld [tilespmem:$0x4630]  }
0x81: {  	v8 =	vld [tilespmem:$0x4440]  }
0x82: {  	v9 =	vld [tilespmem:$0x4640]  }
0x83: {  	v10 =	vld [tilespmem:$0x4450]  }
0x84: {  	v11 =	vld [tilespmem:$0x4650]  }
0x85: {  	v12 =	vld [tilespmem:$0x4460]  }
0x86: {  	v13 =	vld [tilespmem:$0x4660]  }
0x87: {  	v14 =	vld [tilespmem:$0x4470]  }
0x88: {  	v15 =	vld [tilespmem:$0x4670]  }
0x89: {  	v16 =	vld [tilespmem:$0x4480]  }
0x8a: {  	v17 =	vld [tilespmem:$0x4680]  }
0x8b: {  	v18 =	vld [tilespmem:$0x4490]  }
0x8c: {  	v19 =	vld [tilespmem:$0x4690]  }
0x8d: {  	v20 =	vld [tilespmem:$0x44A0]  }
0x8e: {  	v21 =	vld [tilespmem:$0x46A0]  }
0x8f: {  	v22 =	vld [tilespmem:$0x44B0]  }
0x90: {  	v23 =	vld [tilespmem:$0x46B0]  }
0x91: {  	v24 =	vld [tilespmem:$0x44C0]  }
0x92: {  	v25 =	vld [tilespmem:$0x46C0]  }
0x93: {  	v26 =	vld [tilespmem:$0x44D0]  }
0x94: {  	v27 =	vld [tilespmem:$0x46D0]  }
0x95: {  	v28 =	vld [tilespmem:$0x44E0]  }
0x96: {  	v29 =	vld [tilespmem:$0x46E0]  }
0x97: {  	v30 =	vld [tilespmem:$0x44F0]  }
0x98: {  	v31 =	vld [tilespmem:$0x46F0]  }
0x99: {  	v32 =	vld [tilespmem:$0x4500]  }
0x9a: {  	v33 =	vld [tilespmem:$0x4700]  }
0x9b: {  	v34 =	vld [tilespmem:$0x4510]  }
0x9c: {  	v35 =	vld [tilespmem:$0x4710]  }
0x9d: {  	v36 =	vld [tilespmem:$0x4520]  }
0x9e: {  	v46 =	vld [tilespmem:$0x4720];
	v0 =	vadd.f32 v44, v43  }
0x9f: {  	v47 =	vld [tilespmem:$0x4530];
	v2 =	vadd.f32 v3, v45  }
0xa0: {  	v49 =	vld [tilespmem:$0x4730];
	v48 =	vadd.f32 v5, v4;
	[tilespmem:$0x4800] =	vst v0  }
0xa1: {  	v51 =	vld [tilespmem:$0x4540];
	v50 =	vadd.f32 v7, v6;
	[tilespmem:$0x4810] =	vst v2  }
0xa2: {  	v53 =	vld [tilespmem:$0x4740];
	v52 =	vadd.f32 v9, v8;
	[tilespmem:$0x4820] =	vst v48  }
0xa3: {  	v55 =	vld [tilespmem:$0x4550];
	v54 =	vadd.f32 v11, v10;
	[tilespmem:$0x4830] =	vst v50  }
0xa4: {  	v57 =	vld [tilespmem:$0x4750];
	v56 =	vadd.f32 v13, v12;
	[tilespmem:$0x4840] =	vst v52  }
0xa5: {  	v59 =	vld [tilespmem:$0x4560];
	v58 =	vadd.f32 v15, v14;
	[tilespmem:$0x4850] =	vst v54  }
0xa6: {  	v61 =	vld [tilespmem:$0x4760];
	v60 =	vadd.f32 v17, v16;
	[tilespmem:$0x4860] =	vst v56  }
0xa7: {  	v63 =	vld [tilespmem:$0x4570];
	v62 =	vadd.f32 v19, v18;
	[tilespmem:$0x4870] =	vst v58  }
0xa8: {  	v37 =	vld [tilespmem:$0x45A0];
	v20 =	vadd.f32 v21, v20;
	[tilespmem:$0x4880] =	vst v60  }
0xa9: {  	v39 =	vld [tilespmem:$0x47A0];
	v22 =	vadd.f32 v23, v22;
	[tilespmem:$0x4890] =	vst v62  }
0xaa: {  	v41 =	vld [tilespmem:$0x45B0];
	v24 =	vadd.f32 v25, v24;
	[tilespmem:$0x48A0] =	vst v20  }
0xab: {  	v21 =	vld [tilespmem:$0x4770];
	v26 =	vadd.f32 v27, v26;
	[tilespmem:$0x48B0] =	vst v22  }
0xac: {  	v23 =	vld [tilespmem:$0x4580];
	v28 =	vadd.f32 v29, v28;
	[tilespmem:$0x48C0] =	vst v24  }
0xad: {  	v25 =	vld [tilespmem:$0x4780];
	v31 =	vadd.f32 v31, v30;
	[tilespmem:$0x48D0] =	vst v26  }
0xae: {  	v27 =	vld [tilespmem:$0x4590];
	v38 =	vadd.f32 v33, v32;
	[tilespmem:$0x48E0] =	vst v28  }
0xaf: {  	v29 =	vld [tilespmem:$0x4790];
	v40 =	vadd.f32 v35, v34;
	[tilespmem:$0x48F0] =	vst v31  }
0xb0: {  	v42 =	vadd.f32 v46, v36;
	v43 =	vld [tilespmem:$0x47B0];
	[tilespmem:$0x4900] =	vst v38  }
0xb1: {  	v44 =	vadd.f32 v49, v47;
	v45 =	vld [tilespmem:$0x45C0];
	[tilespmem:$0x4910] =	vst v40  }
0xb2: {  	v46 =	vadd.f32 v53, v51;
	v47 =	vld [tilespmem:$0x47C0];
	[tilespmem:$0x4920] =	vst v42  }
0xb3: {  	v49 =	vld [tilespmem:$0x45D0];
	[tilespmem:$0x4930] =	vst v44;
	v48 =	vadd.f32 v57, v55  }
0xb4: {  	v51 =	vld [tilespmem:$0x47D0];
	[tilespmem:$0x4940] =	vst v46;
	v50 =	vadd.f32 v61, v59  }
0xb5: {  	v53 =	vld [tilespmem:$0x45E0];
	v58 =	vadd.f32 v39, v37;
	[tilespmem:$0x4950] =	vst v48  }
0xb6: {  	v55 =	vld [tilespmem:$0x47E0];
	[tilespmem:$0x4960] =	vst v50;
	v52 =	vadd.f32 v21, v63  }
0xb7: {  	v57 =	vld [tilespmem:$0x45F0];
	[tilespmem:$0x49A0] =	vst v58;
	v54 =	vadd.f32 v25, v23  }
0xb8: {  	v59 =	vld [tilespmem:$0x47F0];
	v56 =	vadd.f32 v29, v27;
	[tilespmem:$0x4970] =	vst v52  }
0xb9: {  	v1 =	vadd.f32 v43, v41;
	[tilespmem:$0x4980] =	vst v54  }
0xba: {  	v60 =	vadd.f32 v47, v45;
	[tilespmem:$0x4990] =	vst v56  }
0xbb: {  	v61 =	vadd.f32 v51, v49;
	[tilespmem:$0x49B0] =	vst v1  }
0xbc: {  	[tilespmem:$0x49C0] =	vst v60;
	v62 =	vadd.f32 v55, v53  }
0xbd: {  	s22 =	sadd.s32 $0x1, s22;
	[tilespmem:$0x49D0] =	vst v61;
	v63 =	vadd.f32 v59, v57  }
0xbe: {  	p0 =	sne.s32 s22, s11;
	[tilespmem:$0x49E0] =	vst v62  }
.Ltmp1:
0xbf: {  	[tilespmem:$0x49F0] =	vst v63;
	(pc) =	sbr.rel @p0 .LBB2_1-.Ltmp1, $4  }
0xc0: {  	[hbm4b:s10+s1] =	stream.linear.scatter [tilespmem:s21], [sflag:$0x2], $0x200, $0x38;
	[tilespmem:$0x4A10] =	vst v63  }
0xc1: {  	_ =	swait.ge [sflag:s12], $0x200  }
0xc2: {  	[sflag:s12] =	ssyncset.done $0x0  }
0xc3: {  	[sflag:s12] =	ssyncadd.s32 $0xFFFFFE00  }
0xc4: {  	_ =	sfence.sel $0x180000  }
0xc5: {  	[bflag:$0x0] =	sbarrier.arrive $0xFFFF  }
0xc6: {  	_ =	strace $0x90000047  }
0xc7: {  	s0 =	stileid.u32;
	[bflag:$0x2] =	sbarrier.arrive $0xFFFF  }
0xc8: {  	p0 =	sne.s32 s0, $0x0;
	s0 =	rddreg [dreg:$0x2]  }
0xc9: {  	s0 =	sadd.s32 @!p0 $0x100000, s0  }
0xca: {  	[sflag:s0] =	ssyncadd.tile.s32 @!p0 $0x1;
	_ =	shalt  }
.Lfunc_end2:
_tile_overlayer_lowered:
.L_overlay_start_2:
0xcb: {  	(tag) =	ssettag $0x2  }
0xcc: {  	s0 =	rddreg [dreg:$0x0];
	s2 =	stileid.u32  }
0xcd: {  	s1 =	rddreg [dreg:$0x1];
	p0 =	sne.s32 s2, $0x0  }
0xce: {  	s3 =	rddreg [dreg:$0x2];
	[bflag:$0x3] =	sbarrier.arrive $0xFFFF;
	s2 =	simm.s32 @!p0 $0x1C02  }
0xcf: {  	[timem:s3], [sflag:s2] =	dma.local @!p0 [hbm:s0], s1  }
0xd0: {  	s0 =	simm.s32 @!p0 $0x2  }
0xd1: {  	_ =	swait.ge @!p0 [sflag:s0], s1  }
0xd2: {  	s1 =	ssub.s32 @!p0 $0x0, s1;
	[sflag:s0] =	ssyncset.done @!p0 $0x0  }
0xd3: {  	[sflag:s0] =	ssyncadd.s32 @!p0 s1  }
0xd4: {  	[bflag:$0x3] =	sbarrier.arrive $0xFFFF  }
0xd5: {  	_ =	shalt  }

</sc_bundles>
